<compile_context>
chip_gen: v7x
topology: tpu7x:2x2x1
jax: 0.10.2.dev20260603
libtpu: 0.0.44.dev20260713+nightly
codegen_flags: <defaults>
</compile_context>

<pallas_src>
import functools

import jax
import jax.numpy as jnp
from jax import lax
from jax.experimental import pallas as pl
from jax.experimental.pallas import tpu as pltpu
from jax.experimental.pallas import tpu_sc as plsc

NC = 2
NS = 16
B = 128


def _round_up(a, b):
    return (a + b - 1) // b * b




def _make_edge_scatter(n_pad, dw, nbw):
    rpt = n_pad // NS
    mesh = plsc.VectorSubcoreMesh(core_axis_name="c", subcore_axis_name="s")

    @functools.partial(
        pl.kernel,
        out_type=jax.ShapeDtypeStruct((NC, n_pad, dw), jnp.float32),
        mesh=mesh,
        compiler_params=pltpu.CompilerParams(use_tc_tiling_on_sc=False),
        scratch_types=[
            [pltpu.VMEM((2, B), jnp.int32) for _ in range(4)],
            pltpu.VMEM((B, dw), jnp.float32),
            pltpu.VMEM((B, dw), jnp.float32),
            pltpu.VMEM_SHARED((n_pad, dw), jnp.float32),
            [pltpu.SemaphoreType.DMA for _ in range(4)],
            pltpu.SemaphoreType.DMA,
            pltpu.SemaphoreType.DMA,
            pltpu.SemaphoreType.DMA,
            pltpu.SemaphoreType.DMA,
        ],
    )
    def k(tbl, idxb, zeros, out, ibufs, r0, r1, acc, sis, sr0, sr1, ss0, ss1):
        c = lax.axis_index("c")
        s = lax.axis_index("s")
        base = (c * NS + s) * nbw
        pltpu.sync_copy(zeros.at[pl.ds(s * rpt, rpt)],
                        acc.at[pl.ds(s * rpt, rpt)])
        plsc.subcore_barrier()

        rbufs = (r0, r1)
        srs = (sr0, sr1)
        sss = (ss0, ss1)
        for j in range(4):
            pltpu.async_copy(idxb.at[base + j], ibufs[j], sis[j])
        pltpu.make_async_copy(idxb.at[base], ibufs[0], sis[0]).wait()
        pltpu.async_copy(tbl.at[ibufs[0].at[0]], r0, sr0)
        pltpu.async_copy(zeros.at[pl.ds(0, B)], r1, ss1)

        def body(i, carry):
            g = 4 * i
            for j in range(4):
                inxt = ibufs[(j + 1) % 4]
                rcur = rbufs[j % 2]
                rnxt = rbufs[(j + 1) % 2]
                pltpu.make_async_copy(idxb.at[base], inxt, sis[(j + 1) % 4]).wait()
                pltpu.make_async_copy(tbl.at[inxt.at[0]], rcur, srs[j % 2]).wait()
                pltpu.async_copy(rcur, acc.at[ibufs[j].at[1]], sss[j % 2], add=True)
                pltpu.make_async_copy(zeros.at[pl.ds(0, B)], rnxt,
                                      sss[(j + 1) % 2]).wait()
                pltpu.async_copy(tbl.at[inxt.at[0]], rnxt, srs[(j + 1) % 2])
                gpre = jnp.minimum(g + j + 4, nbw - 1)
                pltpu.async_copy(idxb.at[base + gpre], ibufs[j], sis[j])
            return carry

        lax.fori_loop(0, nbw // 4, body, 0)
        pltpu.make_async_copy(tbl.at[ibufs[0].at[0]], r0, sr0).wait()
        pltpu.make_async_copy(zeros.at[pl.ds(0, B)], r1, ss1).wait()
        for j in range(1, 4):
            pltpu.make_async_copy(idxb.at[base], ibufs[j], sis[j]).wait()
        plsc.subcore_barrier()
        pltpu.sync_copy(acc.at[pl.ds(s * rpt, rpt)],
                        out.at[c, pl.ds(s * rpt, rpt)])

    return k


def _make_deg_scatter(n_pad, dw, nbw):
    rpt = n_pad // NS
    mesh = plsc.VectorSubcoreMesh(core_axis_name="c", subcore_axis_name="s")

    @functools.partial(
        pl.kernel,
        out_type=jax.ShapeDtypeStruct((NC, n_pad, dw), jnp.float32),
        mesh=mesh,
        compiler_params=pltpu.CompilerParams(use_tc_tiling_on_sc=False),
        scratch_types=[
            pltpu.VMEM((nbw, B), jnp.int32),
            pltpu.VMEM((B, dw), jnp.float32),
            pltpu.VMEM_SHARED((n_pad, dw), jnp.float32),
        ],
    )
    def k(ones, dstb, zeros, out, didx, rows, acc):
        c = lax.axis_index("c")
        s = lax.axis_index("s")
        wid = c * NS + s
        pltpu.sync_copy(zeros.at[pl.ds(s * rpt, rpt)],
                        acc.at[pl.ds(s * rpt, rpt)])
        pltpu.sync_copy(dstb.at[pl.ds(wid * nbw, nbw)], didx)
        pltpu.sync_copy(ones, rows)
        plsc.subcore_barrier()

        def body(g, carry):
            pltpu.sync_copy(rows, acc.at[didx.at[g]], add=True)
            return carry

        lax.fori_loop(0, nbw, body, 0)
        plsc.subcore_barrier()
        pltpu.sync_copy(acc.at[pl.ds(s * rpt, rpt)],
                        out.at[c, pl.ds(s * rpt, rpt)])

    return k




def _dinv_block(d0, d1):
    return lax.rsqrt(d0[:, :1] + d1[:, :1] + 1.0)


def _k1a_body(x_ref, w1_ref, o_ref):
    o_ref[...] = jnp.dot(x_ref[...], w1_ref[...],
                         preferred_element_type=jnp.float32)


def _k1b_body(h1_ref, d0_ref, d1_ref, o_ref):
    dinv = _dinv_block(d0_ref[...], d1_ref[...])
    o_ref[...] = h1_ref[...] * dinv


def _k3_body(p0_ref, p1_ref, h1p_ref, eps_ref, d0_ref, d1_ref, o_ref, *, latent):
    dinv = _dinv_block(d0_ref[...], d1_ref[...])
    s = dinv * (p0_ref[...] + p1_ref[...] + h1p_ref[...])
    mean = s[:, :latent]
    std = jax.nn.softplus(s[:, latent:]) + 1e-10
    z = mean + std * eps_ref[...]
    o_ref[...] = jnp.maximum(z, 0.0) * dinv


def _k5_body(q0_ref, q1_ref, hp_ref, w2_ref, d0_ref, d1_ref, o_ref):
    dinv = _dinv_block(d0_ref[...], d1_ref[...])
    t = dinv * (q0_ref[...] + q1_ref[...] + hp_ref[...])
    o_ref[...] = jnp.dot(t, w2_ref[...], preferred_element_type=jnp.float32)




def kernel(x, edge_index, W1, W2, eps):
    n, d = x.shape
    latent = eps.shape[1]
    d2 = W1.shape[1]
    e = edge_index.shape[1]

    n_pad = _round_up(n + 1, NS * 8)
    nb_total = _round_up(pl.cdiv(e, B), NC * NS * 8)
    nbw = nb_total // (NC * NS)
    e_pad = nb_total * B

    src = edge_index[0].astype(jnp.int32)
    dst = edge_index[1].astype(jnp.int32)
    pad_src = jnp.arange(e_pad - e, dtype=jnp.int32) % n
    src_b = jnp.concatenate([src, pad_src]).reshape(nb_total, B)
    pad_dst = n + jnp.arange(e_pad - e, dtype=jnp.int32) % (n_pad - n)
    dst_b = jnp.concatenate([dst, pad_dst]).reshape(nb_total, B)
    idx_b = jnp.stack([src_b, dst_b], axis=1)

    zeros_w = jnp.zeros((n_pad, d2), jnp.float32)
    zeros_l = jnp.zeros((n_pad, latent), jnp.float32)
    zeros_16 = jnp.zeros((n_pad, 16), jnp.float32)
    ones_16 = jnp.ones((B, 16), jnp.float32)

    degp = _make_deg_scatter(n_pad, 16, nbw)(ones_16, dst_b, zeros_16)
    d0 = degp[0, :n, :]
    d1 = degp[1, :n, :]

    rb = 1000 if n % 1000 == 0 else 8
    grid = (n // rb,)
    h1 = pl.pallas_call(
        _k1a_body,
        grid=grid,
        in_specs=[
            pl.BlockSpec((rb, d), lambda i: (i, 0)),
            pl.BlockSpec((d, d2), lambda i: (0, 0)),
        ],
        out_specs=pl.BlockSpec((rb, d2), lambda i: (i, 0)),
        out_shape=jax.ShapeDtypeStruct((n, d2), jnp.float32),
    )(x, W1)

    h1p = pl.pallas_call(
        _k1b_body,
        grid=grid,
        in_specs=[
            pl.BlockSpec((rb, d2), lambda i: (i, 0)),
            pl.BlockSpec((rb, 16), lambda i: (i, 0)),
            pl.BlockSpec((rb, 16), lambda i: (i, 0)),
        ],
        out_specs=pl.BlockSpec((rb, d2), lambda i: (i, 0)),
        out_shape=jax.ShapeDtypeStruct((n, d2), jnp.float32),
    )(h1, d0, d1)

    p = _make_edge_scatter(n_pad, d2, nbw)(h1p, idx_b, zeros_w)

    hp = pl.pallas_call(
        functools.partial(_k3_body, latent=latent),
        grid=grid,
        in_specs=[
            pl.BlockSpec((rb, d2), lambda i: (i, 0)),
            pl.BlockSpec((rb, d2), lambda i: (i, 0)),
            pl.BlockSpec((rb, d2), lambda i: (i, 0)),
            pl.BlockSpec((rb, latent), lambda i: (i, 0)),
            pl.BlockSpec((rb, 16), lambda i: (i, 0)),
            pl.BlockSpec((rb, 16), lambda i: (i, 0)),
        ],
        out_specs=pl.BlockSpec((rb, latent), lambda i: (i, 0)),
        out_shape=jax.ShapeDtypeStruct((n, latent), jnp.float32),
    )(p[0, :n, :], p[1, :n, :], h1p, eps, d0, d1)

    q = _make_edge_scatter(n_pad, latent, nbw)(hp, idx_b, zeros_l)

    out = pl.pallas_call(
        _k5_body,
        grid=grid,
        in_specs=[
            pl.BlockSpec((rb, latent), lambda i: (i, 0)),
            pl.BlockSpec((rb, latent), lambda i: (i, 0)),
            pl.BlockSpec((rb, latent), lambda i: (i, 0)),
            pl.BlockSpec((latent, d), lambda i: (0, 0)),
            pl.BlockSpec((rb, 16), lambda i: (i, 0)),
            pl.BlockSpec((rb, 16), lambda i: (i, 0)),
        ],
        out_specs=pl.BlockSpec((rb, d), lambda i: (i, 0)),
        out_shape=jax.ShapeDtypeStruct((n, d), jnp.float32),
    )(q[0, :n, :], q[1, :n, :], hp, W2, d0, d1)

    return out

# --- scband reference (transcript-rebuilt; emitter-appended) ---
"""Pipeline reference for scband-gibgnn-43843026157643 (READ-ONLY COPY).

The authoritative reference and input builder live on the scoring server;
editing this copy changes nothing except your own understanding.
"""

import jax, jax.numpy as jnp
import numpy as np

N = 10000
E = 320000
D = 128
LATENT = 64


def gcn_conv(x, W, src, dst, n_nodes):
    # x: [N, d_in], W: [d_in, d_out]; symmetric-normalized GCN aggregation with self-loops
    h = x @ W
    loop = jnp.arange(n_nodes, dtype=src.dtype)
    src2 = jnp.concatenate([src, loop])
    dst2 = jnp.concatenate([dst, loop])
    deg = jnp.zeros((n_nodes,), dtype=h.dtype).at[dst2].add(1.0)
    dinv = 1.0 / jnp.sqrt(jnp.clip(deg, 1.0))
    norm = dinv[src2] * dinv[dst2]
    msg = h[src2] * norm[:, None]
    out = jnp.zeros((n_nodes, h.shape[1]), dtype=h.dtype).at[dst2].add(msg)
    return out


def setup_inputs(seed: int = 0) -> dict:
    key = jax.random.key(seed)
    k1, k2, k3, k4, k5 = jax.random.split(key, 5)
    x = jax.random.normal(k1, (N, D), dtype=jnp.float32)
    edge_index = jax.random.randint(k2, (2, E), 0, N, dtype=jnp.int64)
    # layer 1 GCNConv weight produces mean||std_logit for diag reparam (2 * latent)
    W1 = jax.random.normal(k3, (D, 2 * LATENT), dtype=jnp.float32) * (1.0 / np.sqrt(D))
    # layer 2 GCNConv weight maps latent sample back to out_channels
    W2 = jax.random.normal(k4, (LATENT, D), dtype=jnp.float32) * (1.0 / np.sqrt(LATENT))
    # fixed reparameterization noise (rsample epsilon), deterministic for the reference
    eps = jax.random.normal(k5, (N, LATENT), dtype=jnp.float32)
    return {"x": x, "edge_index": edge_index, "W1": W1, "W2": W2, "eps": eps}


def reference(x, edge_index, W1, W2, eps):
    src = edge_index[0]
    dst = edge_index[1]
    # Layer 1: GCNConv with diagonal reparameterization (GIB)
    mean_logit = gcn_conv(x, W1, src, dst, N)
    mean = mean_logit[:, :LATENT]
    std = jax.nn.softplus(mean_logit[:, LATENT:]) + 1e-10
    # rsample: mean + std * eps
    Z = mean + std * eps
    h = jax.nn.relu(Z)
    # Layer 2: GCNConv to output channels
    out = gcn_conv(h, W2, src, dst, N)
    return out

if __name__ == "__main__":
    import jax
    _d = setup_inputs()
    print(jax.jit(kernel)(*tuple(_d.values())))

</pallas_src>

<mosaic_0001>
#map = affine_map<(d0, d1) -> (0, 0)>
#map1 = affine_map<(d0, d1) -> (0, 0, 0)>
module attributes {stable_mosaic.version = 14 : i64} {
  func.func @k(%arg0: i32, %arg1: i32, %arg2: memref<10000x64xf32, #tpu.memory_space<hbm>>, %arg3: memref<2560x2x128xi32, #tpu.memory_space<hbm>>, %arg4: memref<10112x64xf32, #tpu.memory_space<hbm>>, %arg5: memref<2x10112x64xf32, #tpu.memory_space<hbm>>, %arg6: memref<2x128xi32, #tpu.memory_space<vmem>>, %arg7: memref<2x128xi32, #tpu.memory_space<vmem>>, %arg8: memref<2x128xi32, #tpu.memory_space<vmem>>, %arg9: memref<2x128xi32, #tpu.memory_space<vmem>>, %arg10: memref<128x64xf32, #tpu.memory_space<vmem>>, %arg11: memref<128x64xf32, #tpu.memory_space<vmem>>, %arg12: memref<10112x64xf32, #tpu.memory_space<vmem_shared>>, %arg13: memref<!tpu.dma_semaphore, #tpu.memory_space<semaphore_mem>>, %arg14: memref<!tpu.dma_semaphore, #tpu.memory_space<semaphore_mem>>, %arg15: memref<!tpu.dma_semaphore, #tpu.memory_space<semaphore_mem>>, %arg16: memref<!tpu.dma_semaphore, #tpu.memory_space<semaphore_mem>>, %arg17: memref<!tpu.dma_semaphore, #tpu.memory_space<semaphore_mem>>, %arg18: memref<!tpu.dma_semaphore, #tpu.memory_space<semaphore_mem>>, %arg19: memref<!tpu.dma_semaphore, #tpu.memory_space<semaphore_mem>>, %arg20: memref<!tpu.dma_semaphore, #tpu.memory_space<semaphore_mem>>) attributes {dimension_semantics = [#tpu.dimension_semantics<core_parallel>, #tpu.dimension_semantics<subcore_parallel>], iteration_bounds = array<i64: 2, 16>, scalar_prefetch = 0 : i64, scratch_operands = 15 : i64, tpu.core_type = #tpu.core_type<sc_vector_subcore>, window_params = [{transform_indices = #map}, {transform_indices = #map1}, {transform_indices = #map}, {transform_indices = #map1}]} {
    %mul3A = arith.constant 16 : i32
    %mul3A_0 = arith.muli %arg0, %mul3A : i32
    %add3A = arith.addi %mul3A_0, %arg1 : i32
    %mul3A_1 = arith.constant 80 : i32
    %mul3A_2 = arith.muli %add3A, %mul3A_1 : i32
    %mul3A_3 = arith.constant 632 : i32
    %mul3A_4 = arith.muli %arg1, %mul3A_3 : i32
    %mul3A_5 = arith.constant 632 : i32
    %mul3A_6 = arith.muli %arg1, %mul3A_5 : i32
    "tpu.region"() ({
      %run_scoped3A = tpu.sem_alloc : memref<!tpu.dma_semaphore, #tpu.memory_space<semaphore_mem>>
      %dma_start3A_113 = arith.constant 0 : i32
      %dma_start3A_114 = tpu.memref_slice %arg12[%mul3A_6, %dma_start3A_113] : memref<10112x64xf32, #tpu.memory_space<vmem_shared>> -> memref<632x64xf32, #tpu.memory_space<vmem_shared>>
      %dma_start3A_115 = arith.constant 0 : i32
      %dma_start3A_116 = tpu.memref_slice %arg4[%mul3A_4, %dma_start3A_115] : memref<10112x64xf32, #tpu.memory_space<hbm>> -> memref<632x64xf32, #tpu.memory_space<hbm>>
      tpu.enqueue_dma source(%dma_start3A_116 : memref<632x64xf32, #tpu.memory_space<hbm>>) target(%dma_start3A_114 : memref<632x64xf32, #tpu.memory_space<vmem_shared>>) target_semaphore(%run_scoped3A : memref<!tpu.dma_semaphore, #tpu.memory_space<semaphore_mem>>)
      %dma_wait3A_117 = arith.constant 0 : i32
      %dma_wait3A_118 = tpu.memref_slice %arg12[%mul3A_6, %dma_wait3A_117] : memref<10112x64xf32, #tpu.memory_space<vmem_shared>> -> memref<632x64xf32, #tpu.memory_space<vmem_shared>>
      %dma_wait3A_119 = arith.constant 0 : i32
      %dma_wait3A_120 = tpu.memref_slice %arg4[%mul3A_4, %dma_wait3A_119] : memref<10112x64xf32, #tpu.memory_space<hbm>> -> memref<632x64xf32, #tpu.memory_space<hbm>>
      tpu.wait_dma2 semaphore(%run_scoped3A : memref<!tpu.dma_semaphore, #tpu.memory_space<semaphore_mem>>) src(%dma_wait3A_120 : memref<632x64xf32, #tpu.memory_space<hbm>>) dst(%dma_wait3A_118 : memref<632x64xf32, #tpu.memory_space<vmem_shared>>)
      tpu.yield
    }) : () -> ()
    %barrier3A = arith.constant 0 : index
    tpu.barrier barrier_id(%barrier3A)
    %add3A_7 = arith.constant 0 : i32
    %add3A_8 = arith.addi %mul3A_2, %add3A_7 : i32
    %dma_start3A = arith.constant 0 : i32
    %dma_start3A_9 = arith.constant 0 : i32
    %dma_start3A_10 = tpu.memref_slice %arg3[%add3A_8, %dma_start3A, %dma_start3A_9] : memref<2560x2x128xi32, #tpu.memory_space<hbm>> -> memref<1x2x128xi32, #tpu.memory_space<hbm>>
    %dma_start3A_11 = tpu.memref_squeeze %dma_start3A_10 : memref<1x2x128xi32, #tpu.memory_space<hbm>> -> memref<2x128xi32, #tpu.memory_space<hbm>>
    %dma_start3A_12 = arith.constant 0 : i32
    %dma_start3A_13 = arith.constant 0 : i32
    %dma_start3A_14 = tpu.memref_slice %arg3[%add3A_8, %dma_start3A_12, %dma_start3A_13] : memref<2560x2x128xi32, #tpu.memory_space<hbm>> -> memref<1x2x128xi32, #tpu.memory_space<hbm>>
    %dma_start3A_15 = tpu.memref_squeeze %dma_start3A_14 : memref<1x2x128xi32, #tpu.memory_space<hbm>> -> memref<2x128xi32, #tpu.memory_space<hbm>>
    tpu.enqueue_dma source(%dma_start3A_15 : memref<2x128xi32, #tpu.memory_space<hbm>>) target(%arg6 : memref<2x128xi32, #tpu.memory_space<vmem>>) target_semaphore(%arg13 : memref<!tpu.dma_semaphore, #tpu.memory_space<semaphore_mem>>)
    %add3A_16 = arith.constant 1 : i32
    %add3A_17 = arith.addi %mul3A_2, %add3A_16 : i32
    %dma_start3A_18 = arith.constant 0 : i32
    %dma_start3A_19 = arith.constant 0 : i32
    %dma_start3A_20 = tpu.memref_slice %arg3[%add3A_17, %dma_start3A_18, %dma_start3A_19] : memref<2560x2x128xi32, #tpu.memory_space<hbm>> -> memref<1x2x128xi32, #tpu.memory_space<hbm>>
    %dma_start3A_21 = tpu.memref_squeeze %dma_start3A_20 : memref<1x2x128xi32, #tpu.memory_space<hbm>> -> memref<2x128xi32, #tpu.memory_space<hbm>>
    %dma_start3A_22 = arith.constant 0 : i32
    %dma_start3A_23 = arith.constant 0 : i32
    %dma_start3A_24 = tpu.memref_slice %arg3[%add3A_17, %dma_start3A_22, %dma_start3A_23] : memref<2560x2x128xi32, #tpu.memory_space<hbm>> -> memref<1x2x128xi32, #tpu.memory_space<hbm>>
    %dma_start3A_25 = tpu.memref_squeeze %dma_start3A_24 : memref<1x2x128xi32, #tpu.memory_space<hbm>> -> memref<2x128xi32, #tpu.memory_space<hbm>>
    tpu.enqueue_dma source(%dma_start3A_25 : memref<2x128xi32, #tpu.memory_space<hbm>>) target(%arg7 : memref<2x128xi32, #tpu.memory_space<vmem>>) target_semaphore(%arg14 : memref<!tpu.dma_semaphore, #tpu.memory_space<semaphore_mem>>)
    %add3A_26 = arith.constant 2 : i32
    %add3A_27 = arith.addi %mul3A_2, %add3A_26 : i32
    %dma_start3A_28 = arith.constant 0 : i32
    %dma_start3A_29 = arith.constant 0 : i32
    %dma_start3A_30 = tpu.memref_slice %arg3[%add3A_27, %dma_start3A_28, %dma_start3A_29] : memref<2560x2x128xi32, #tpu.memory_space<hbm>> -> memref<1x2x128xi32, #tpu.memory_space<hbm>>
    %dma_start3A_31 = tpu.memref_squeeze %dma_start3A_30 : memref<1x2x128xi32, #tpu.memory_space<hbm>> -> memref<2x128xi32, #tpu.memory_space<hbm>>
    %dma_start3A_32 = arith.constant 0 : i32
    %dma_start3A_33 = arith.constant 0 : i32
    %dma_start3A_34 = tpu.memref_slice %arg3[%add3A_27, %dma_start3A_32, %dma_start3A_33] : memref<2560x2x128xi32, #tpu.memory_space<hbm>> -> memref<1x2x128xi32, #tpu.memory_space<hbm>>
    %dma_start3A_35 = tpu.memref_squeeze %dma_start3A_34 : memref<1x2x128xi32, #tpu.memory_space<hbm>> -> memref<2x128xi32, #tpu.memory_space<hbm>>
    tpu.enqueue_dma source(%dma_start3A_35 : memref<2x128xi32, #tpu.memory_space<hbm>>) target(%arg8 : memref<2x128xi32, #tpu.memory_space<vmem>>) target_semaphore(%arg15 : memref<!tpu.dma_semaphore, #tpu.memory_space<semaphore_mem>>)
    %add3A_36 = arith.constant 3 : i32
    %add3A_37 = arith.addi %mul3A_2, %add3A_36 : i32
    %dma_start3A_38 = arith.constant 0 : i32
    %dma_start3A_39 = arith.constant 0 : i32
    %dma_start3A_40 = tpu.memref_slice %arg3[%add3A_37, %dma_start3A_38, %dma_start3A_39] : memref<2560x2x128xi32, #tpu.memory_space<hbm>> -> memref<1x2x128xi32, #tpu.memory_space<hbm>>
    %dma_start3A_41 = tpu.memref_squeeze %dma_start3A_40 : memref<1x2x128xi32, #tpu.memory_space<hbm>> -> memref<2x128xi32, #tpu.memory_space<hbm>>
    %dma_start3A_42 = arith.constant 0 : i32
    %dma_start3A_43 = arith.constant 0 : i32
    %dma_start3A_44 = tpu.memref_slice %arg3[%add3A_37, %dma_start3A_42, %dma_start3A_43] : memref<2560x2x128xi32, #tpu.memory_space<hbm>> -> memref<1x2x128xi32, #tpu.memory_space<hbm>>
    %dma_start3A_45 = tpu.memref_squeeze %dma_start3A_44 : memref<1x2x128xi32, #tpu.memory_space<hbm>> -> memref<2x128xi32, #tpu.memory_space<hbm>>
    tpu.enqueue_dma source(%dma_start3A_45 : memref<2x128xi32, #tpu.memory_space<hbm>>) target(%arg9 : memref<2x128xi32, #tpu.memory_space<vmem>>) target_semaphore(%arg16 : memref<!tpu.dma_semaphore, #tpu.memory_space<semaphore_mem>>)
    %dma_wait3A = arith.constant 0 : i32
    %dma_wait3A_46 = arith.constant 0 : i32
    %dma_wait3A_47 = tpu.memref_slice %arg3[%mul3A_2, %dma_wait3A, %dma_wait3A_46] : memref<2560x2x128xi32, #tpu.memory_space<hbm>> -> memref<1x2x128xi32, #tpu.memory_space<hbm>>
    %dma_wait3A_48 = tpu.memref_squeeze %dma_wait3A_47 : memref<1x2x128xi32, #tpu.memory_space<hbm>> -> memref<2x128xi32, #tpu.memory_space<hbm>>
    %dma_wait3A_49 = arith.constant 0 : i32
    %dma_wait3A_50 = arith.constant 0 : i32
    %dma_wait3A_51 = tpu.memref_slice %arg3[%mul3A_2, %dma_wait3A_49, %dma_wait3A_50] : memref<2560x2x128xi32, #tpu.memory_space<hbm>> -> memref<1x2x128xi32, #tpu.memory_space<hbm>>
    %dma_wait3A_52 = tpu.memref_squeeze %dma_wait3A_51 : memref<1x2x128xi32, #tpu.memory_space<hbm>> -> memref<2x128xi32, #tpu.memory_space<hbm>>
    tpu.wait_dma2 semaphore(%arg13 : memref<!tpu.dma_semaphore, #tpu.memory_space<semaphore_mem>>) src(%dma_wait3A_52 : memref<2x128xi32, #tpu.memory_space<hbm>>) dst(%arg6 : memref<2x128xi32, #tpu.memory_space<vmem>>)
    %dma_start3A_53 = arith.constant 0 : i32
    %dma_start3A_54 = arith.constant 0 : i32
    %dma_start3A_55 = tpu.memref_slice %arg6[%dma_start3A_53, %dma_start3A_54] : memref<2x128xi32, #tpu.memory_space<vmem>> -> memref<1x128xi32, #tpu.memory_space<vmem>>
    %dma_start3A_56 = tpu.memref_squeeze %dma_start3A_55 : memref<1x128xi32, #tpu.memory_space<vmem>> -> memref<128xi32, #tpu.memory_space<vmem>>
    %dma_start3A_57 = arith.constant 0 : i32
    %dma_start3A_58 = arith.constant 0 : i32
    %dma_start3A_59 = tpu.memref_slice %arg2[%dma_start3A_57, %dma_start3A_58] : memref<10000x64xf32, #tpu.memory_space<hbm>> -> memref<10000x64xf32, #tpu.memory_space<hbm>>
    tpu.enqueue_indirect_dma source(%dma_start3A_59 : memref<10000x64xf32, #tpu.memory_space<hbm>>) target(%arg10 : memref<128x64xf32, #tpu.memory_space<vmem>>) offsets(%dma_start3A_56 : memref<128xi32, #tpu.memory_space<vmem>>) semaphore(%arg17 : memref<!tpu.dma_semaphore, #tpu.memory_space<semaphore_mem>>)
    %dma_start3A_60 = arith.constant 0 : i32
    %dma_start3A_61 = arith.constant 0 : i32
    %dma_start3A_62 = tpu.memref_slice %arg4[%dma_start3A_60, %dma_start3A_61] : memref<10112x64xf32, #tpu.memory_space<hbm>> -> memref<128x64xf32, #tpu.memory_space<hbm>>
    %dma_start3A_63 = arith.constant 0 : i32
    %dma_start3A_64 = arith.constant 0 : i32
    %dma_start3A_65 = tpu.memref_slice %arg4[%dma_start3A_63, %dma_start3A_64] : memref<10112x64xf32, #tpu.memory_space<hbm>> -> memref<128x64xf32, #tpu.memory_space<hbm>>
    tpu.enqueue_dma source(%dma_start3A_65 : memref<128x64xf32, #tpu.memory_space<hbm>>) target(%arg11 : memref<128x64xf32, #tpu.memory_space<vmem>>) target_semaphore(%arg20 : memref<!tpu.dma_semaphore, #tpu.memory_space<semaphore_mem>>)
    %scan3A = arith.constant 0 : i32
    %scan3A_66 = arith.constant 0 : i32
    %scan3A_67 = arith.constant 20 : i32
    %scan3A_68 = arith.addi %scan3A_66, %scan3A_67 : i32
    %scan3A_69 = arith.constant 1 : i32
    scf.for %scan3A_113 = %scan3A_66 to %scan3A_68 step %scan3A_69  : i32 {
      %mul3A_114 = arith.constant 4 : i32
      %mul3A_115 = arith.muli %mul3A_114, %scan3A_113 : i32
      %dma_wait3A_116 = arith.constant 0 : i32
      %dma_wait3A_117 = arith.constant 0 : i32
      %dma_wait3A_118 = tpu.memref_slice %arg3[%mul3A_2, %dma_wait3A_116, %dma_wait3A_117] : memref<2560x2x128xi32, #tpu.memory_space<hbm>> -> memref<1x2x128xi32, #tpu.memory_space<hbm>>
      %dma_wait3A_119 = tpu.memref_squeeze %dma_wait3A_118 : memref<1x2x128xi32, #tpu.memory_space<hbm>> -> memref<2x128xi32, #tpu.memory_space<hbm>>
      %dma_wait3A_120 = arith.constant 0 : i32
      %dma_wait3A_121 = arith.constant 0 : i32
      %dma_wait3A_122 = tpu.memref_slice %arg3[%mul3A_2, %dma_wait3A_120, %dma_wait3A_121] : memref<2560x2x128xi32, #tpu.memory_space<hbm>> -> memref<1x2x128xi32, #tpu.memory_space<hbm>>
      %dma_wait3A_123 = tpu.memref_squeeze %dma_wait3A_122 : memref<1x2x128xi32, #tpu.memory_space<hbm>> -> memref<2x128xi32, #tpu.memory_space<hbm>>
      tpu.wait_dma2 semaphore(%arg14 : memref<!tpu.dma_semaphore, #tpu.memory_space<semaphore_mem>>) src(%dma_wait3A_123 : memref<2x128xi32, #tpu.memory_space<hbm>>) dst(%arg7 : memref<2x128xi32, #tpu.memory_space<vmem>>)
      %dma_wait3A_124 = arith.constant 0 : i32
      %dma_wait3A_125 = arith.constant 0 : i32
      %dma_wait3A_126 = tpu.memref_slice %arg7[%dma_wait3A_124, %dma_wait3A_125] : memref<2x128xi32, #tpu.memory_space<vmem>> -> memref<1x128xi32, #tpu.memory_space<vmem>>
      %dma_wait3A_127 = tpu.memref_squeeze %dma_wait3A_126 : memref<1x128xi32, #tpu.memory_space<vmem>> -> memref<128xi32, #tpu.memory_space<vmem>>
      %dma_wait3A_128 = arith.constant 0 : i32
      %dma_wait3A_129 = arith.constant 0 : i32
      %dma_wait3A_130 = tpu.memref_slice %arg2[%dma_wait3A_128, %dma_wait3A_129] : memref<10000x64xf32, #tpu.memory_space<hbm>> -> memref<10000x64xf32, #tpu.memory_space<hbm>>
      tpu.wait_indirect_dma semaphore(%arg17 : memref<!tpu.dma_semaphore, #tpu.memory_space<semaphore_mem>>) src(%dma_wait3A_130 : memref<10000x64xf32, #tpu.memory_space<hbm>>) dst(%arg10 : memref<128x64xf32, #tpu.memory_space<vmem>>)
      %dma_start3A_131 = arith.constant 1 : i32
      %dma_start3A_132 = arith.constant 0 : i32
      %dma_start3A_133 = tpu.memref_slice %arg6[%dma_start3A_131, %dma_start3A_132] : memref<2x128xi32, #tpu.memory_space<vmem>> -> memref<1x128xi32, #tpu.memory_space<vmem>>
      %dma_start3A_134 = tpu.memref_squeeze %dma_start3A_133 : memref<1x128xi32, #tpu.memory_space<vmem>> -> memref<128xi32, #tpu.memory_space<vmem>>
      %dma_start3A_135 = arith.constant 0 : i32
      %dma_start3A_136 = arith.constant 0 : i32
      %dma_start3A_137 = tpu.memref_slice %arg12[%dma_start3A_135, %dma_start3A_136] : memref<10112x64xf32, #tpu.memory_space<vmem_shared>> -> memref<10112x64xf32, #tpu.memory_space<vmem_shared>>
      tpu.enqueue_indirect_dma source(%arg10 : memref<128x64xf32, #tpu.memory_space<vmem>>) target(%dma_start3A_137 : memref<10112x64xf32, #tpu.memory_space<vmem_shared>>) offsets(%dma_start3A_134 : memref<128xi32, #tpu.memory_space<vmem>>) semaphore(%arg19 : memref<!tpu.dma_semaphore, #tpu.memory_space<semaphore_mem>>) {add = true}
      %dma_wait3A_138 = arith.constant 0 : i32
      %dma_wait3A_139 = arith.constant 0 : i32
      %dma_wait3A_140 = tpu.memref_slice %arg4[%dma_wait3A_138, %dma_wait3A_139] : memref<10112x64xf32, #tpu.memory_space<hbm>> -> memref<128x64xf32, #tpu.memory_space<hbm>>
      %dma_wait3A_141 = arith.constant 0 : i32
      %dma_wait3A_142 = arith.constant 0 : i32
      %dma_wait3A_143 = tpu.memref_slice %arg4[%dma_wait3A_141, %dma_wait3A_142] : memref<10112x64xf32, #tpu.memory_space<hbm>> -> memref<128x64xf32, #tpu.memory_space<hbm>>
      tpu.wait_dma2 semaphore(%arg20 : memref<!tpu.dma_semaphore, #tpu.memory_space<semaphore_mem>>) src(%dma_wait3A_143 : memref<128x64xf32, #tpu.memory_space<hbm>>) dst(%arg11 : memref<128x64xf32, #tpu.memory_space<vmem>>)
      %dma_start3A_144 = arith.constant 0 : i32
      %dma_start3A_145 = arith.constant 0 : i32
      %dma_start3A_146 = tpu.memref_slice %arg7[%dma_start3A_144, %dma_start3A_145] : memref<2x128xi32, #tpu.memory_space<vmem>> -> memref<1x128xi32, #tpu.memory_space<vmem>>
      %dma_start3A_147 = tpu.memref_squeeze %dma_start3A_146 : memref<1x128xi32, #tpu.memory_space<vmem>> -> memref<128xi32, #tpu.memory_space<vmem>>
      %dma_start3A_148 = arith.constant 0 : i32
      %dma_start3A_149 = arith.constant 0 : i32
      %dma_start3A_150 = tpu.memref_slice %arg2[%dma_start3A_148, %dma_start3A_149] : memref<10000x64xf32, #tpu.memory_space<hbm>> -> memref<10000x64xf32, #tpu.memory_space<hbm>>
      tpu.enqueue_indirect_dma source(%dma_start3A_150 : memref<10000x64xf32, #tpu.memory_space<hbm>>) target(%arg11 : memref<128x64xf32, #tpu.memory_space<vmem>>) offsets(%dma_start3A_147 : memref<128xi32, #tpu.memory_space<vmem>>) semaphore(%arg18 : memref<!tpu.dma_semaphore, #tpu.memory_space<semaphore_mem>>)
      %add3A_151 = arith.constant 0 : i32
      %add3A_152 = arith.addi %mul3A_115, %add3A_151 : i32
      %add3A_153 = arith.constant 4 : i32
      %add3A_154 = arith.addi %add3A_152, %add3A_153 : i32
      %min3A = arith.constant 79 : i32
      %min3A_155 = arith.minsi %add3A_154, %min3A : i32
      %add3A_156 = arith.addi %mul3A_2, %min3A_155 : i32
      %dma_start3A_157 = arith.constant 0 : i32
      %dma_start3A_158 = arith.constant 0 : i32
      %dma_start3A_159 = tpu.memref_slice %arg3[%add3A_156, %dma_start3A_157, %dma_start3A_158] : memref<2560x2x128xi32, #tpu.memory_space<hbm>> -> memref<1x2x128xi32, #tpu.memory_space<hbm>>
      %dma_start3A_160 = tpu.memref_squeeze %dma_start3A_159 : memref<1x2x128xi32, #tpu.memory_space<hbm>> -> memref<2x128xi32, #tpu.memory_space<hbm>>
      %dma_start3A_161 = arith.constant 0 : i32
      %dma_start3A_162 = arith.constant 0 : i32
      %dma_start3A_163 = tpu.memref_slice %arg3[%add3A_156, %dma_start3A_161, %dma_start3A_162] : memref<2560x2x128xi32, #tpu.memory_space<hbm>> -> memref<1x2x128xi32, #tpu.memory_space<hbm>>
      %dma_start3A_164 = tpu.memref_squeeze %dma_start3A_163 : memref<1x2x128xi32, #tpu.memory_space<hbm>> -> memref<2x128xi32, #tpu.memory_space<hbm>>
      tpu.enqueue_dma source(%dma_start3A_164 : memref<2x128xi32, #tpu.memory_space<hbm>>) target(%arg6 : memref<2x128xi32, #tpu.memory_space<vmem>>) target_semaphore(%arg13 : memref<!tpu.dma_semaphore, #tpu.memory_space<semaphore_mem>>)
      %dma_wait3A_165 = arith.constant 0 : i32
      %dma_wait3A_166 = arith.constant 0 : i32
      %dma_wait3A_167 = tpu.memref_slice %arg3[%mul3A_2, %dma_wait3A_165, %dma_wait3A_166] : memref<2560x2x128xi32, #tpu.memory_space<hbm>> -> memref<1x2x128xi32, #tpu.memory_space<hbm>>
      %dma_wait3A_168 = tpu.memref_squeeze %dma_wait3A_167 : memref<1x2x128xi32, #tpu.memory_space<hbm>> -> memref<2x128xi32, #tpu.memory_space<hbm>>
      %dma_wait3A_169 = arith.constant 0 : i32
      %dma_wait3A_170 = arith.constant 0 : i32
      %dma_wait3A_171 = tpu.memref_slice %arg3[%mul3A_2, %dma_wait3A_169, %dma_wait3A_170] : memref<2560x2x128xi32, #tpu.memory_space<hbm>> -> memref<1x2x128xi32, #tpu.memory_space<hbm>>
      %dma_wait3A_172 = tpu.memref_squeeze %dma_wait3A_171 : memref<1x2x128xi32, #tpu.memory_space<hbm>> -> memref<2x128xi32, #tpu.memory_space<hbm>>
      tpu.wait_dma2 semaphore(%arg15 : memref<!tpu.dma_semaphore, #tpu.memory_space<semaphore_mem>>) src(%dma_wait3A_172 : memref<2x128xi32, #tpu.memory_space<hbm>>) dst(%arg8 : memref<2x128xi32, #tpu.memory_space<vmem>>)
      %dma_wait3A_173 = arith.constant 0 : i32
      %dma_wait3A_174 = arith.constant 0 : i32
      %dma_wait3A_175 = tpu.memref_slice %arg8[%dma_wait3A_173, %dma_wait3A_174] : memref<2x128xi32, #tpu.memory_space<vmem>> -> memref<1x128xi32, #tpu.memory_space<vmem>>
      %dma_wait3A_176 = tpu.memref_squeeze %dma_wait3A_175 : memref<1x128xi32, #tpu.memory_space<vmem>> -> memref<128xi32, #tpu.memory_space<vmem>>
      %dma_wait3A_177 = arith.constant 0 : i32
      %dma_wait3A_178 = arith.constant 0 : i32
      %dma_wait3A_179 = tpu.memref_slice %arg2[%dma_wait3A_177, %dma_wait3A_178] : memref<10000x64xf32, #tpu.memory_space<hbm>> -> memref<10000x64xf32, #tpu.memory_space<hbm>>
      tpu.wait_indirect_dma semaphore(%arg18 : memref<!tpu.dma_semaphore, #tpu.memory_space<semaphore_mem>>) src(%dma_wait3A_179 : memref<10000x64xf32, #tpu.memory_space<hbm>>) dst(%arg11 : memref<128x64xf32, #tpu.memory_space<vmem>>)
      %dma_start3A_180 = arith.constant 1 : i32
      %dma_start3A_181 = arith.constant 0 : i32
      %dma_start3A_182 = tpu.memref_slice %arg7[%dma_start3A_180, %dma_start3A_181] : memref<2x128xi32, #tpu.memory_space<vmem>> -> memref<1x128xi32, #tpu.memory_space<vmem>>
      %dma_start3A_183 = tpu.memref_squeeze %dma_start3A_182 : memref<1x128xi32, #tpu.memory_space<vmem>> -> memref<128xi32, #tpu.memory_space<vmem>>
      %dma_start3A_184 = arith.constant 0 : i32
      %dma_start3A_185 = arith.constant 0 : i32
      %dma_start3A_186 = tpu.memref_slice %arg12[%dma_start3A_184, %dma_start3A_185] : memref<10112x64xf32, #tpu.memory_space<vmem_shared>> -> memref<10112x64xf32, #tpu.memory_space<vmem_shared>>
      tpu.enqueue_indirect_dma source(%arg11 : memref<128x64xf32, #tpu.memory_space<vmem>>) target(%dma_start3A_186 : memref<10112x64xf32, #tpu.memory_space<vmem_shared>>) offsets(%dma_start3A_183 : memref<128xi32, #tpu.memory_space<vmem>>) semaphore(%arg20 : memref<!tpu.dma_semaphore, #tpu.memory_space<semaphore_mem>>) {add = true}
      %dma_wait3A_187 = arith.constant 0 : i32
      %dma_wait3A_188 = arith.constant 0 : i32
      %dma_wait3A_189 = tpu.memref_slice %arg4[%dma_wait3A_187, %dma_wait3A_188] : memref<10112x64xf32, #tpu.memory_space<hbm>> -> memref<128x64xf32, #tpu.memory_space<hbm>>
      %dma_wait3A_190 = arith.constant 0 : i32
      %dma_wait3A_191 = arith.constant 0 : i32
      %dma_wait3A_192 = tpu.memref_slice %arg4[%dma_wait3A_190, %dma_wait3A_191] : memref<10112x64xf32, #tpu.memory_space<hbm>> -> memref<128x64xf32, #tpu.memory_space<hbm>>
      tpu.wait_dma2 semaphore(%arg19 : memref<!tpu.dma_semaphore, #tpu.memory_space<semaphore_mem>>) src(%dma_wait3A_192 : memref<128x64xf32, #tpu.memory_space<hbm>>) dst(%arg10 : memref<128x64xf32, #tpu.memory_space<vmem>>)
      %dma_start3A_193 = arith.constant 0 : i32
      %dma_start3A_194 = arith.constant 0 : i32
      %dma_start3A_195 = tpu.memref_slice %arg8[%dma_start3A_193, %dma_start3A_194] : memref<2x128xi32, #tpu.memory_space<vmem>> -> memref<1x128xi32, #tpu.memory_space<vmem>>
      %dma_start3A_196 = tpu.memref_squeeze %dma_start3A_195 : memref<1x128xi32, #tpu.memory_space<vmem>> -> memref<128xi32, #tpu.memory_space<vmem>>
      %dma_start3A_197 = arith.constant 0 : i32
      %dma_start3A_198 = arith.constant 0 : i32
      %dma_start3A_199 = tpu.memref_slice %arg2[%dma_start3A_197, %dma_start3A_198] : memref<10000x64xf32, #tpu.memory_space<hbm>> -> memref<10000x64xf32, #tpu.memory_space<hbm>>
      tpu.enqueue_indirect_dma source(%dma_start3A_199 : memref<10000x64xf32, #tpu.memory_space<hbm>>) target(%arg10 : memref<128x64xf32, #tpu.memory_space<vmem>>) offsets(%dma_start3A_196 : memref<128xi32, #tpu.memory_space<vmem>>) semaphore(%arg17 : memref<!tpu.dma_semaphore, #tpu.memory_space<semaphore_mem>>)
      %add3A_200 = arith.constant 1 : i32
      %add3A_201 = arith.addi %mul3A_115, %add3A_200 : i32
      %add3A_202 = arith.constant 4 : i32
      %add3A_203 = arith.addi %add3A_201, %add3A_202 : i32
      %min3A_204 = arith.constant 79 : i32
      %min3A_205 = arith.minsi %add3A_203, %min3A_204 : i32
      %add3A_206 = arith.addi %mul3A_2, %min3A_205 : i32
      %dma_start3A_207 = arith.constant 0 : i32
      %dma_start3A_208 = arith.constant 0 : i32
      %dma_start3A_209 = tpu.memref_slice %arg3[%add3A_206, %dma_start3A_207, %dma_start3A_208] : memref<2560x2x128xi32, #tpu.memory_space<hbm>> -> memref<1x2x128xi32, #tpu.memory_space<hbm>>
      %dma_start3A_210 = tpu.memref_squeeze %dma_start3A_209 : memref<1x2x128xi32, #tpu.memory_space<hbm>> -> memref<2x128xi32, #tpu.memory_space<hbm>>
      %dma_start3A_211 = arith.constant 0 : i32
      %dma_start3A_212 = arith.constant 0 : i32
      %dma_start3A_213 = tpu.memref_slice %arg3[%add3A_206, %dma_start3A_211, %dma_start3A_212] : memref<2560x2x128xi32, #tpu.memory_space<hbm>> -> memref<1x2x128xi32, #tpu.memory_space<hbm>>
      %dma_start3A_214 = tpu.memref_squeeze %dma_start3A_213 : memref<1x2x128xi32, #tpu.memory_space<hbm>> -> memref<2x128xi32, #tpu.memory_space<hbm>>
      tpu.enqueue_dma source(%dma_start3A_214 : memref<2x128xi32, #tpu.memory_space<hbm>>) target(%arg7 : memref<2x128xi32, #tpu.memory_space<vmem>>) target_semaphore(%arg14 : memref<!tpu.dma_semaphore, #tpu.memory_space<semaphore_mem>>)
      %dma_wait3A_215 = arith.constant 0 : i32
      %dma_wait3A_216 = arith.constant 0 : i32
      %dma_wait3A_217 = tpu.memref_slice %arg3[%mul3A_2, %dma_wait3A_215, %dma_wait3A_216] : memref<2560x2x128xi32, #tpu.memory_space<hbm>> -> memref<1x2x128xi32, #tpu.memory_space<hbm>>
      %dma_wait3A_218 = tpu.memref_squeeze %dma_wait3A_217 : memref<1x2x128xi32, #tpu.memory_space<hbm>> -> memref<2x128xi32, #tpu.memory_space<hbm>>
      %dma_wait3A_219 = arith.constant 0 : i32
      %dma_wait3A_220 = arith.constant 0 : i32
      %dma_wait3A_221 = tpu.memref_slice %arg3[%mul3A_2, %dma_wait3A_219, %dma_wait3A_220] : memref<2560x2x128xi32, #tpu.memory_space<hbm>> -> memref<1x2x128xi32, #tpu.memory_space<hbm>>
      %dma_wait3A_222 = tpu.memref_squeeze %dma_wait3A_221 : memref<1x2x128xi32, #tpu.memory_space<hbm>> -> memref<2x128xi32, #tpu.memory_space<hbm>>
      tpu.wait_dma2 semaphore(%arg16 : memref<!tpu.dma_semaphore, #tpu.memory_space<semaphore_mem>>) src(%dma_wait3A_222 : memref<2x128xi32, #tpu.memory_space<hbm>>) dst(%arg9 : memref<2x128xi32, #tpu.memory_space<vmem>>)
      %dma_wait3A_223 = arith.constant 0 : i32
      %dma_wait3A_224 = arith.constant 0 : i32
      %dma_wait3A_225 = tpu.memref_slice %arg9[%dma_wait3A_223, %dma_wait3A_224] : memref<2x128xi32, #tpu.memory_space<vmem>> -> memref<1x128xi32, #tpu.memory_space<vmem>>
      %dma_wait3A_226 = tpu.memref_squeeze %dma_wait3A_225 : memref<1x128xi32, #tpu.memory_space<vmem>> -> memref<128xi32, #tpu.memory_space<vmem>>
      %dma_wait3A_227 = arith.constant 0 : i32
      %dma_wait3A_228 = arith.constant 0 : i32
      %dma_wait3A_229 = tpu.memref_slice %arg2[%dma_wait3A_227, %dma_wait3A_228] : memref<10000x64xf32, #tpu.memory_space<hbm>> -> memref<10000x64xf32, #tpu.memory_space<hbm>>
      tpu.wait_indirect_dma semaphore(%arg17 : memref<!tpu.dma_semaphore, #tpu.memory_space<semaphore_mem>>) src(%dma_wait3A_229 : memref<10000x64xf32, #tpu.memory_space<hbm>>) dst(%arg10 : memref<128x64xf32, #tpu.memory_space<vmem>>)
      %dma_start3A_230 = arith.constant 1 : i32
      %dma_start3A_231 = arith.constant 0 : i32
      %dma_start3A_232 = tpu.memref_slice %arg8[%dma_start3A_230, %dma_start3A_231] : memref<2x128xi32, #tpu.memory_space<vmem>> -> memref<1x128xi32, #tpu.memory_space<vmem>>
      %dma_start3A_233 = tpu.memref_squeeze %dma_start3A_232 : memref<1x128xi32, #tpu.memory_space<vmem>> -> memref<128xi32, #tpu.memory_space<vmem>>
      %dma_start3A_234 = arith.constant 0 : i32
      %dma_start3A_235 = arith.constant 0 : i32
      %dma_start3A_236 = tpu.memref_slice %arg12[%dma_start3A_234, %dma_start3A_235] : memref<10112x64xf32, #tpu.memory_space<vmem_shared>> -> memref<10112x64xf32, #tpu.memory_space<vmem_shared>>
      tpu.enqueue_indirect_dma source(%arg10 : memref<128x64xf32, #tpu.memory_space<vmem>>) target(%dma_start3A_236 : memref<10112x64xf32, #tpu.memory_space<vmem_shared>>) offsets(%dma_start3A_233 : memref<128xi32, #tpu.memory_space<vmem>>) semaphore(%arg19 : memref<!tpu.dma_semaphore, #tpu.memory_space<semaphore_mem>>) {add = true}
      %dma_wait3A_237 = arith.constant 0 : i32
      %dma_wait3A_238 = arith.constant 0 : i32
      %dma_wait3A_239 = tpu.memref_slice %arg4[%dma_wait3A_237, %dma_wait3A_238] : memref<10112x64xf32, #tpu.memory_space<hbm>> -> memref<128x64xf32, #tpu.memory_space<hbm>>
      %dma_wait3A_240 = arith.constant 0 : i32
      %dma_wait3A_241 = arith.constant 0 : i32
      %dma_wait3A_242 = tpu.memref_slice %arg4[%dma_wait3A_240, %dma_wait3A_241] : memref<10112x64xf32, #tpu.memory_space<hbm>> -> memref<128x64xf32, #tpu.memory_space<hbm>>
      tpu.wait_dma2 semaphore(%arg20 : memref<!tpu.dma_semaphore, #tpu.memory_space<semaphore_mem>>) src(%dma_wait3A_242 : memref<128x64xf32, #tpu.memory_space<hbm>>) dst(%arg11 : memref<128x64xf32, #tpu.memory_space<vmem>>)
      %dma_start3A_243 = arith.constant 0 : i32
      %dma_start3A_244 = arith.constant 0 : i32
      %dma_start3A_245 = tpu.memref_slice %arg9[%dma_start3A_243, %dma_start3A_244] : memref<2x128xi32, #tpu.memory_space<vmem>> -> memref<1x128xi32, #tpu.memory_space<vmem>>
      %dma_start3A_246 = tpu.memref_squeeze %dma_start3A_245 : memref<1x128xi32, #tpu.memory_space<vmem>> -> memref<128xi32, #tpu.memory_space<vmem>>
      %dma_start3A_247 = arith.constant 0 : i32
      %dma_start3A_248 = arith.constant 0 : i32
      %dma_start3A_249 = tpu.memref_slice %arg2[%dma_start3A_247, %dma_start3A_248] : memref<10000x64xf32, #tpu.memory_space<hbm>> -> memref<10000x64xf32, #tpu.memory_space<hbm>>
      tpu.enqueue_indirect_dma source(%dma_start3A_249 : memref<10000x64xf32, #tpu.memory_space<hbm>>) target(%arg11 : memref<128x64xf32, #tpu.memory_space<vmem>>) offsets(%dma_start3A_246 : memref<128xi32, #tpu.memory_space<vmem>>) semaphore(%arg18 : memref<!tpu.dma_semaphore, #tpu.memory_space<semaphore_mem>>)
      %add3A_250 = arith.constant 2 : i32
      %add3A_251 = arith.addi %mul3A_115, %add3A_250 : i32
      %add3A_252 = arith.constant 4 : i32
      %add3A_253 = arith.addi %add3A_251, %add3A_252 : i32
      %min3A_254 = arith.constant 79 : i32
      %min3A_255 = arith.minsi %add3A_253, %min3A_254 : i32
      %add3A_256 = arith.addi %mul3A_2, %min3A_255 : i32
      %dma_start3A_257 = arith.constant 0 : i32
      %dma_start3A_258 = arith.constant 0 : i32
      %dma_start3A_259 = tpu.memref_slice %arg3[%add3A_256, %dma_start3A_257, %dma_start3A_258] : memref<2560x2x128xi32, #tpu.memory_space<hbm>> -> memref<1x2x128xi32, #tpu.memory_space<hbm>>
      %dma_start3A_260 = tpu.memref_squeeze %dma_start3A_259 : memref<1x2x128xi32, #tpu.memory_space<hbm>> -> memref<2x128xi32, #tpu.memory_space<hbm>>
      %dma_start3A_261 = arith.constant 0 : i32
      %dma_start3A_262 = arith.constant 0 : i32
      %dma_start3A_263 = tpu.memref_slice %arg3[%add3A_256, %dma_start3A_261, %dma_start3A_262] : memref<2560x2x128xi32, #tpu.memory_space<hbm>> -> memref<1x2x128xi32, #tpu.memory_space<hbm>>
      %dma_start3A_264 = tpu.memref_squeeze %dma_start3A_263 : memref<1x2x128xi32, #tpu.memory_space<hbm>> -> memref<2x128xi32, #tpu.memory_space<hbm>>
      tpu.enqueue_dma source(%dma_start3A_264 : memref<2x128xi32, #tpu.memory_space<hbm>>) target(%arg8 : memref<2x128xi32, #tpu.memory_space<vmem>>) target_semaphore(%arg15 : memref<!tpu.dma_semaphore, #tpu.memory_space<semaphore_mem>>)
      %dma_wait3A_265 = arith.constant 0 : i32
      %dma_wait3A_266 = arith.constant 0 : i32
      %dma_wait3A_267 = tpu.memref_slice %arg3[%mul3A_2, %dma_wait3A_265, %dma_wait3A_266] : memref<2560x2x128xi32, #tpu.memory_space<hbm>> -> memref<1x2x128xi32, #tpu.memory_space<hbm>>
      %dma_wait3A_268 = tpu.memref_squeeze %dma_wait3A_267 : memref<1x2x128xi32, #tpu.memory_space<hbm>> -> memref<2x128xi32, #tpu.memory_space<hbm>>
      %dma_wait3A_269 = arith.constant 0 : i32
      %dma_wait3A_270 = arith.constant 0 : i32
      %dma_wait3A_271 = tpu.memref_slice %arg3[%mul3A_2, %dma_wait3A_269, %dma_wait3A_270] : memref<2560x2x128xi32, #tpu.memory_space<hbm>> -> memref<1x2x128xi32, #tpu.memory_space<hbm>>
      %dma_wait3A_272 = tpu.memref_squeeze %dma_wait3A_271 : memref<1x2x128xi32, #tpu.memory_space<hbm>> -> memref<2x128xi32, #tpu.memory_space<hbm>>
      tpu.wait_dma2 semaphore(%arg13 : memref<!tpu.dma_semaphore, #tpu.memory_space<semaphore_mem>>) src(%dma_wait3A_272 : memref<2x128xi32, #tpu.memory_space<hbm>>) dst(%arg6 : memref<2x128xi32, #tpu.memory_space<vmem>>)
      %dma_wait3A_273 = arith.constant 0 : i32
      %dma_wait3A_274 = arith.constant 0 : i32
      %dma_wait3A_275 = tpu.memref_slice %arg6[%dma_wait3A_273, %dma_wait3A_274] : memref<2x128xi32, #tpu.memory_space<vmem>> -> memref<1x128xi32, #tpu.memory_space<vmem>>
      %dma_wait3A_276 = tpu.memref_squeeze %dma_wait3A_275 : memref<1x128xi32, #tpu.memory_space<vmem>> -> memref<128xi32, #tpu.memory_space<vmem>>
      %dma_wait3A_277 = arith.constant 0 : i32
      %dma_wait3A_278 = arith.constant 0 : i32
      %dma_wait3A_279 = tpu.memref_slice %arg2[%dma_wait3A_277, %dma_wait3A_278] : memref<10000x64xf32, #tpu.memory_space<hbm>> -> memref<10000x64xf32, #tpu.memory_space<hbm>>
      tpu.wait_indirect_dma semaphore(%arg18 : memref<!tpu.dma_semaphore, #tpu.memory_space<semaphore_mem>>) src(%dma_wait3A_279 : memref<10000x64xf32, #tpu.memory_space<hbm>>) dst(%arg11 : memref<128x64xf32, #tpu.memory_space<vmem>>)
      %dma_start3A_280 = arith.constant 1 : i32
      %dma_start3A_281 = arith.constant 0 : i32
      %dma_start3A_282 = tpu.memref_slice %arg9[%dma_start3A_280, %dma_start3A_281] : memref<2x128xi32, #tpu.memory_space<vmem>> -> memref<1x128xi32, #tpu.memory_space<vmem>>
      %dma_start3A_283 = tpu.memref_squeeze %dma_start3A_282 : memref<1x128xi32, #tpu.memory_space<vmem>> -> memref<128xi32, #tpu.memory_space<vmem>>
      %dma_start3A_284 = arith.constant 0 : i32
      %dma_start3A_285 = arith.constant 0 : i32
      %dma_start3A_286 = tpu.memref_slice %arg12[%dma_start3A_284, %dma_start3A_285] : memref<10112x64xf32, #tpu.memory_space<vmem_shared>> -> memref<10112x64xf32, #tpu.memory_space<vmem_shared>>
      tpu.enqueue_indirect_dma source(%arg11 : memref<128x64xf32, #tpu.memory_space<vmem>>) target(%dma_start3A_286 : memref<10112x64xf32, #tpu.memory_space<vmem_shared>>) offsets(%dma_start3A_283 : memref<128xi32, #tpu.memory_space<vmem>>) semaphore(%arg20 : memref<!tpu.dma_semaphore, #tpu.memory_space<semaphore_mem>>) {add = true}
      %dma_wait3A_287 = arith.constant 0 : i32
      %dma_wait3A_288 = arith.constant 0 : i32
      %dma_wait3A_289 = tpu.memref_slice %arg4[%dma_wait3A_287, %dma_wait3A_288] : memref<10112x64xf32, #tpu.memory_space<hbm>> -> memref<128x64xf32, #tpu.memory_space<hbm>>
      %dma_wait3A_290 = arith.constant 0 : i32
      %dma_wait3A_291 = arith.constant 0 : i32
      %dma_wait3A_292 = tpu.memref_slice %arg4[%dma_wait3A_290, %dma_wait3A_291] : memref<10112x64xf32, #tpu.memory_space<hbm>> -> memref<128x64xf32, #tpu.memory_space<hbm>>
      tpu.wait_dma2 semaphore(%arg19 : memref<!tpu.dma_semaphore, #tpu.memory_space<semaphore_mem>>) src(%dma_wait3A_292 : memref<128x64xf32, #tpu.memory_space<hbm>>) dst(%arg10 : memref<128x64xf32, #tpu.memory_space<vmem>>)
      %dma_start3A_293 = arith.constant 0 : i32
      %dma_start3A_294 = arith.constant 0 : i32
      %dma_start3A_295 = tpu.memref_slice %arg6[%dma_start3A_293, %dma_start3A_294] : memref<2x128xi32, #tpu.memory_space<vmem>> -> memref<1x128xi32, #tpu.memory_space<vmem>>
      %dma_start3A_296 = tpu.memref_squeeze %dma_start3A_295 : memref<1x128xi32, #tpu.memory_space<vmem>> -> memref<128xi32, #tpu.memory_space<vmem>>
      %dma_start3A_297 = arith.constant 0 : i32
      %dma_start3A_298 = arith.constant 0 : i32
      %dma_start3A_299 = tpu.memref_slice %arg2[%dma_start3A_297, %dma_start3A_298] : memref<10000x64xf32, #tpu.memory_space<hbm>> -> memref<10000x64xf32, #tpu.memory_space<hbm>>
      tpu.enqueue_indirect_dma source(%dma_start3A_299 : memref<10000x64xf32, #tpu.memory_space<hbm>>) target(%arg10 : memref<128x64xf32, #tpu.memory_space<vmem>>) offsets(%dma_start3A_296 : memref<128xi32, #tpu.memory_space<vmem>>) semaphore(%arg17 : memref<!tpu.dma_semaphore, #tpu.memory_space<semaphore_mem>>)
      %add3A_300 = arith.constant 3 : i32
      %add3A_301 = arith.addi %mul3A_115, %add3A_300 : i32
      %add3A_302 = arith.constant 4 : i32
      %add3A_303 = arith.addi %add3A_301, %add3A_302 : i32
      %min3A_304 = arith.constant 79 : i32
      %min3A_305 = arith.minsi %add3A_303, %min3A_304 : i32
      %add3A_306 = arith.addi %mul3A_2, %min3A_305 : i32
      %dma_start3A_307 = arith.constant 0 : i32
      %dma_start3A_308 = arith.constant 0 : i32
      %dma_start3A_309 = tpu.memref_slice %arg3[%add3A_306, %dma_start3A_307, %dma_start3A_308] : memref<2560x2x128xi32, #tpu.memory_space<hbm>> -> memref<1x2x128xi32, #tpu.memory_space<hbm>>
      %dma_start3A_310 = tpu.memref_squeeze %dma_start3A_309 : memref<1x2x128xi32, #tpu.memory_space<hbm>> -> memref<2x128xi32, #tpu.memory_space<hbm>>
      %dma_start3A_311 = arith.constant 0 : i32
      %dma_start3A_312 = arith.constant 0 : i32
      %dma_start3A_313 = tpu.memref_slice %arg3[%add3A_306, %dma_start3A_311, %dma_start3A_312] : memref<2560x2x128xi32, #tpu.memory_space<hbm>> -> memref<1x2x128xi32, #tpu.memory_space<hbm>>
      %dma_start3A_314 = tpu.memref_squeeze %dma_start3A_313 : memref<1x2x128xi32, #tpu.memory_space<hbm>> -> memref<2x128xi32, #tpu.memory_space<hbm>>
      tpu.enqueue_dma source(%dma_start3A_314 : memref<2x128xi32, #tpu.memory_space<hbm>>) target(%arg9 : memref<2x128xi32, #tpu.memory_space<vmem>>) target_semaphore(%arg16 : memref<!tpu.dma_semaphore, #tpu.memory_space<semaphore_mem>>)
    }
    %scan3A_70 = arith.constant 20 : i32
    %dma_wait3A_71 = arith.constant 0 : i32
    %dma_wait3A_72 = arith.constant 0 : i32
    %dma_wait3A_73 = tpu.memref_slice %arg6[%dma_wait3A_71, %dma_wait3A_72] : memref<2x128xi32, #tpu.memory_space<vmem>> -> memref<1x128xi32, #tpu.memory_space<vmem>>
    %dma_wait3A_74 = tpu.memref_squeeze %dma_wait3A_73 : memref<1x128xi32, #tpu.memory_space<vmem>> -> memref<128xi32, #tpu.memory_space<vmem>>
    %dma_wait3A_75 = arith.constant 0 : i32
    %dma_wait3A_76 = arith.constant 0 : i32
    %dma_wait3A_77 = tpu.memref_slice %arg2[%dma_wait3A_75, %dma_wait3A_76] : memref<10000x64xf32, #tpu.memory_space<hbm>> -> memref<10000x64xf32, #tpu.memory_space<hbm>>
    tpu.wait_indirect_dma semaphore(%arg17 : memref<!tpu.dma_semaphore, #tpu.memory_space<semaphore_mem>>) src(%dma_wait3A_77 : memref<10000x64xf32, #tpu.memory_space<hbm>>) dst(%arg10 : memref<128x64xf32, #tpu.memory_space<vmem>>)
    %dma_wait3A_78 = arith.constant 0 : i32
    %dma_wait3A_79 = arith.constant 0 : i32
    %dma_wait3A_80 = tpu.memref_slice %arg4[%dma_wait3A_78, %dma_wait3A_79] : memref<10112x64xf32, #tpu.memory_space<hbm>> -> memref<128x64xf32, #tpu.memory_space<hbm>>
    %dma_wait3A_81 = arith.constant 0 : i32
    %dma_wait3A_82 = arith.constant 0 : i32
    %dma_wait3A_83 = tpu.memref_slice %arg4[%dma_wait3A_81, %dma_wait3A_82] : memref<10112x64xf32, #tpu.memory_space<hbm>> -> memref<128x64xf32, #tpu.memory_space<hbm>>
    tpu.wait_dma2 semaphore(%arg20 : memref<!tpu.dma_semaphore, #tpu.memory_space<semaphore_mem>>) src(%dma_wait3A_83 : memref<128x64xf32, #tpu.memory_space<hbm>>) dst(%arg11 : memref<128x64xf32, #tpu.memory_space<vmem>>)
    %dma_wait3A_84 = arith.constant 0 : i32
    %dma_wait3A_85 = arith.constant 0 : i32
    %dma_wait3A_86 = tpu.memref_slice %arg3[%mul3A_2, %dma_wait3A_84, %dma_wait3A_85] : memref<2560x2x128xi32, #tpu.memory_space<hbm>> -> memref<1x2x128xi32, #tpu.memory_space<hbm>>
    %dma_wait3A_87 = tpu.memref_squeeze %dma_wait3A_86 : memref<1x2x128xi32, #tpu.memory_space<hbm>> -> memref<2x128xi32, #tpu.memory_space<hbm>>
    %dma_wait3A_88 = arith.constant 0 : i32
    %dma_wait3A_89 = arith.constant 0 : i32
    %dma_wait3A_90 = tpu.memref_slice %arg3[%mul3A_2, %dma_wait3A_88, %dma_wait3A_89] : memref<2560x2x128xi32, #tpu.memory_space<hbm>> -> memref<1x2x128xi32, #tpu.memory_space<hbm>>
    %dma_wait3A_91 = tpu.memref_squeeze %dma_wait3A_90 : memref<1x2x128xi32, #tpu.memory_space<hbm>> -> memref<2x128xi32, #tpu.memory_space<hbm>>
    tpu.wait_dma2 semaphore(%arg14 : memref<!tpu.dma_semaphore, #tpu.memory_space<semaphore_mem>>) src(%dma_wait3A_91 : memref<2x128xi32, #tpu.memory_space<hbm>>) dst(%arg7 : memref<2x128xi32, #tpu.memory_space<vmem>>)
    %dma_wait3A_92 = arith.constant 0 : i32
    %dma_wait3A_93 = arith.constant 0 : i32
    %dma_wait3A_94 = tpu.memref_slice %arg3[%mul3A_2, %dma_wait3A_92, %dma_wait3A_93] : memref<2560x2x128xi32, #tpu.memory_space<hbm>> -> memref<1x2x128xi32, #tpu.memory_space<hbm>>
    %dma_wait3A_95 = tpu.memref_squeeze %dma_wait3A_94 : memref<1x2x128xi32, #tpu.memory_space<hbm>> -> memref<2x128xi32, #tpu.memory_space<hbm>>
    %dma_wait3A_96 = arith.constant 0 : i32
    %dma_wait3A_97 = arith.constant 0 : i32
    %dma_wait3A_98 = tpu.memref_slice %arg3[%mul3A_2, %dma_wait3A_96, %dma_wait3A_97] : memref<2560x2x128xi32, #tpu.memory_space<hbm>> -> memref<1x2x128xi32, #tpu.memory_space<hbm>>
    %dma_wait3A_99 = tpu.memref_squeeze %dma_wait3A_98 : memref<1x2x128xi32, #tpu.memory_space<hbm>> -> memref<2x128xi32, #tpu.memory_space<hbm>>
    tpu.wait_dma2 semaphore(%arg15 : memref<!tpu.dma_semaphore, #tpu.memory_space<semaphore_mem>>) src(%dma_wait3A_99 : memref<2x128xi32, #tpu.memory_space<hbm>>) dst(%arg8 : memref<2x128xi32, #tpu.memory_space<vmem>>)
    %dma_wait3A_100 = arith.constant 0 : i32
    %dma_wait3A_101 = arith.constant 0 : i32
    %dma_wait3A_102 = tpu.memref_slice %arg3[%mul3A_2, %dma_wait3A_100, %dma_wait3A_101] : memref<2560x2x128xi32, #tpu.memory_space<hbm>> -> memref<1x2x128xi32, #tpu.memory_space<hbm>>
    %dma_wait3A_103 = tpu.memref_squeeze %dma_wait3A_102 : memref<1x2x128xi32, #tpu.memory_space<hbm>> -> memref<2x128xi32, #tpu.memory_space<hbm>>
    %dma_wait3A_104 = arith.constant 0 : i32
    %dma_wait3A_105 = arith.constant 0 : i32
    %dma_wait3A_106 = tpu.memref_slice %arg3[%mul3A_2, %dma_wait3A_104, %dma_wait3A_105] : memref<2560x2x128xi32, #tpu.memory_space<hbm>> -> memref<1x2x128xi32, #tpu.memory_space<hbm>>
    %dma_wait3A_107 = tpu.memref_squeeze %dma_wait3A_106 : memref<1x2x128xi32, #tpu.memory_space<hbm>> -> memref<2x128xi32, #tpu.memory_space<hbm>>
    tpu.wait_dma2 semaphore(%arg16 : memref<!tpu.dma_semaphore, #tpu.memory_space<semaphore_mem>>) src(%dma_wait3A_107 : memref<2x128xi32, #tpu.memory_space<hbm>>) dst(%arg9 : memref<2x128xi32, #tpu.memory_space<vmem>>)
    %barrier3A_108 = arith.constant 0 : index
    tpu.barrier barrier_id(%barrier3A_108)
    %mul3A_109 = arith.constant 632 : i32
    %mul3A_110 = arith.muli %arg1, %mul3A_109 : i32
    %mul3A_111 = arith.constant 632 : i32
    %mul3A_112 = arith.muli %arg1, %mul3A_111 : i32
    "tpu.region"() ({
      %run_scoped3A = tpu.sem_alloc : memref<!tpu.dma_semaphore, #tpu.memory_space<semaphore_mem>>
      %dma_start3A_113 = arith.constant 0 : i32
      %dma_start3A_114 = tpu.memref_slice %arg5[%arg0, %mul3A_112, %dma_start3A_113] : memref<2x10112x64xf32, #tpu.memory_space<hbm>> -> memref<1x632x64xf32, #tpu.memory_space<hbm>>
      %dma_start3A_115 = tpu.memref_squeeze %dma_start3A_114 : memref<1x632x64xf32, #tpu.memory_space<hbm>> -> memref<632x64xf32, #tpu.memory_space<hbm>>
      %dma_start3A_116 = arith.constant 0 : i32
      %dma_start3A_117 = tpu.memref_slice %arg12[%mul3A_110, %dma_start3A_116] : memref<10112x64xf32, #tpu.memory_space<vmem_shared>> -> memref<632x64xf32, #tpu.memory_space<vmem_shared>>
      tpu.enqueue_dma source(%dma_start3A_117 : memref<632x64xf32, #tpu.memory_space<vmem_shared>>) target(%dma_start3A_115 : memref<632x64xf32, #tpu.memory_space<hbm>>) target_semaphore(%run_scoped3A : memref<!tpu.dma_semaphore, #tpu.memory_space<semaphore_mem>>)
      %dma_wait3A_118 = arith.constant 0 : i32
      %dma_wait3A_119 = tpu.memref_slice %arg5[%arg0, %mul3A_112, %dma_wait3A_118] : memref<2x10112x64xf32, #tpu.memory_space<hbm>> -> memref<1x632x64xf32, #tpu.memory_space<hbm>>
      %dma_wait3A_120 = tpu.memref_squeeze %dma_wait3A_119 : memref<1x632x64xf32, #tpu.memory_space<hbm>> -> memref<632x64xf32, #tpu.memory_space<hbm>>
      %dma_wait3A_121 = arith.constant 0 : i32
      %dma_wait3A_122 = tpu.memref_slice %arg12[%mul3A_110, %dma_wait3A_121] : memref<10112x64xf32, #tpu.memory_space<vmem_shared>> -> memref<632x64xf32, #tpu.memory_space<vmem_shared>>
      tpu.wait_dma2 semaphore(%run_scoped3A : memref<!tpu.dma_semaphore, #tpu.memory_space<semaphore_mem>>) src(%dma_wait3A_122 : memref<632x64xf32, #tpu.memory_space<vmem_shared>>) dst(%dma_wait3A_120 : memref<632x64xf32, #tpu.memory_space<hbm>>)
      tpu.yield
    }) : () -> ()
    return
  }
}

#map = affine_map<(d0, d1) -> (0, 0)>
#map1 = affine_map<(d0, d1) -> (0, 0, 0)>
module attributes {stable_mosaic.version = 14 : i64} {
  func.func @k(%arg0: i32, %arg1: i32, %arg2: memref<128x16xf32, #tpu.memory_space<hbm>>, %arg3: memref<2560x128xi32, #tpu.memory_space<hbm>>, %arg4: memref<10112x16xf32, #tpu.memory_space<hbm>>, %arg5: memref<2x10112x16xf32, #tpu.memory_space<hbm>>, %arg6: memref<80x128xi32, #tpu.memory_space<vmem>>, %arg7: memref<128x16xf32, #tpu.memory_space<vmem>>, %arg8: memref<10112x16xf32, #tpu.memory_space<vmem_shared>>) attributes {dimension_semantics = [#tpu.dimension_semantics<core_parallel>, #tpu.dimension_semantics<subcore_parallel>], iteration_bounds = array<i64: 2, 16>, scalar_prefetch = 0 : i64, scratch_operands = 3 : i64, tpu.core_type = #tpu.core_type<sc_vector_subcore>, window_params = [{transform_indices = #map}, {transform_indices = #map}, {transform_indices = #map}, {transform_indices = #map1}]} {
    %mul3A = arith.constant 16 : i32
    %mul3A_0 = arith.muli %arg0, %mul3A : i32
    %add3A = arith.addi %mul3A_0, %arg1 : i32
    %mul3A_1 = arith.constant 632 : i32
    %mul3A_2 = arith.muli %arg1, %mul3A_1 : i32
    %mul3A_3 = arith.constant 632 : i32
    %mul3A_4 = arith.muli %arg1, %mul3A_3 : i32
    "tpu.region"() ({
      %run_scoped3A = tpu.sem_alloc : memref<!tpu.dma_semaphore, #tpu.memory_space<semaphore_mem>>
      %dma_start3A = arith.constant 0 : i32
      %dma_start3A_17 = tpu.memref_slice %arg8[%mul3A_4, %dma_start3A] : memref<10112x16xf32, #tpu.memory_space<vmem_shared>> -> memref<632x16xf32, #tpu.memory_space<vmem_shared>>
      %dma_start3A_18 = arith.constant 0 : i32
      %dma_start3A_19 = tpu.memref_slice %arg4[%mul3A_2, %dma_start3A_18] : memref<10112x16xf32, #tpu.memory_space<hbm>> -> memref<632x16xf32, #tpu.memory_space<hbm>>
      tpu.enqueue_dma source(%dma_start3A_19 : memref<632x16xf32, #tpu.memory_space<hbm>>) target(%dma_start3A_17 : memref<632x16xf32, #tpu.memory_space<vmem_shared>>) target_semaphore(%run_scoped3A : memref<!tpu.dma_semaphore, #tpu.memory_space<semaphore_mem>>)
      %dma_wait3A = arith.constant 0 : i32
      %dma_wait3A_20 = tpu.memref_slice %arg8[%mul3A_4, %dma_wait3A] : memref<10112x16xf32, #tpu.memory_space<vmem_shared>> -> memref<632x16xf32, #tpu.memory_space<vmem_shared>>
      %dma_wait3A_21 = arith.constant 0 : i32
      %dma_wait3A_22 = tpu.memref_slice %arg4[%mul3A_2, %dma_wait3A_21] : memref<10112x16xf32, #tpu.memory_space<hbm>> -> memref<632x16xf32, #tpu.memory_space<hbm>>
      tpu.wait_dma2 semaphore(%run_scoped3A : memref<!tpu.dma_semaphore, #tpu.memory_space<semaphore_mem>>) src(%dma_wait3A_22 : memref<632x16xf32, #tpu.memory_space<hbm>>) dst(%dma_wait3A_20 : memref<632x16xf32, #tpu.memory_space<vmem_shared>>)
      tpu.yield
    }) : () -> ()
    %mul3A_5 = arith.constant 80 : i32
    %mul3A_6 = arith.muli %add3A, %mul3A_5 : i32
    "tpu.region"() ({
      %run_scoped3A = tpu.sem_alloc : memref<!tpu.dma_semaphore, #tpu.memory_space<semaphore_mem>>
      %dma_start3A = arith.constant 0 : i32
      %dma_start3A_17 = tpu.memref_slice %arg3[%mul3A_6, %dma_start3A] : memref<2560x128xi32, #tpu.memory_space<hbm>> -> memref<80x128xi32, #tpu.memory_space<hbm>>
      %dma_start3A_18 = arith.constant 0 : i32
      %dma_start3A_19 = tpu.memref_slice %arg3[%mul3A_6, %dma_start3A_18] : memref<2560x128xi32, #tpu.memory_space<hbm>> -> memref<80x128xi32, #tpu.memory_space<hbm>>
      tpu.enqueue_dma source(%dma_start3A_19 : memref<80x128xi32, #tpu.memory_space<hbm>>) target(%arg6 : memref<80x128xi32, #tpu.memory_space<vmem>>) target_semaphore(%run_scoped3A : memref<!tpu.dma_semaphore, #tpu.memory_space<semaphore_mem>>)
      %dma_wait3A = arith.constant 0 : i32
      %dma_wait3A_20 = tpu.memref_slice %arg3[%mul3A_6, %dma_wait3A] : memref<2560x128xi32, #tpu.memory_space<hbm>> -> memref<80x128xi32, #tpu.memory_space<hbm>>
      %dma_wait3A_21 = arith.constant 0 : i32
      %dma_wait3A_22 = tpu.memref_slice %arg3[%mul3A_6, %dma_wait3A_21] : memref<2560x128xi32, #tpu.memory_space<hbm>> -> memref<80x128xi32, #tpu.memory_space<hbm>>
      tpu.wait_dma2 semaphore(%run_scoped3A : memref<!tpu.dma_semaphore, #tpu.memory_space<semaphore_mem>>) src(%dma_wait3A_22 : memref<80x128xi32, #tpu.memory_space<hbm>>) dst(%arg6 : memref<80x128xi32, #tpu.memory_space<vmem>>)
      tpu.yield
    }) : () -> ()
    "tpu.region"() ({
      %run_scoped3A = tpu.sem_alloc : memref<!tpu.dma_semaphore, #tpu.memory_space<semaphore_mem>>
      tpu.enqueue_dma source(%arg2 : memref<128x16xf32, #tpu.memory_space<hbm>>) target(%arg7 : memref<128x16xf32, #tpu.memory_space<vmem>>) target_semaphore(%run_scoped3A : memref<!tpu.dma_semaphore, #tpu.memory_space<semaphore_mem>>)
      tpu.wait_dma2 semaphore(%run_scoped3A : memref<!tpu.dma_semaphore, #tpu.memory_space<semaphore_mem>>) src(%arg2 : memref<128x16xf32, #tpu.memory_space<hbm>>) dst(%arg7 : memref<128x16xf32, #tpu.memory_space<vmem>>)
      tpu.yield
    }) : () -> ()
    %barrier3A = arith.constant 0 : index
    tpu.barrier barrier_id(%barrier3A)
    %scan3A = arith.constant 0 : i32
    %scan3A_7 = arith.constant 0 : i32
    %scan3A_8 = arith.constant 80 : i32
    %scan3A_9 = arith.addi %scan3A_7, %scan3A_8 : i32
    %scan3A_10 = arith.constant 1 : i32
    scf.for %scan3A_17 = %scan3A_7 to %scan3A_9 step %scan3A_10  : i32 {
      "tpu.region"() ({
        %run_scoped3A = tpu.sem_alloc : memref<!tpu.dma_semaphore, #tpu.memory_space<semaphore_mem>>
        %dma_start3A = arith.constant 0 : i32
        %dma_start3A_18 = tpu.memref_slice %arg6[%scan3A_17, %dma_start3A] : memref<80x128xi32, #tpu.memory_space<vmem>> -> memref<1x128xi32, #tpu.memory_space<vmem>>
        %dma_start3A_19 = tpu.memref_squeeze %dma_start3A_18 : memref<1x128xi32, #tpu.memory_space<vmem>> -> memref<128xi32, #tpu.memory_space<vmem>>
        %dma_start3A_20 = arith.constant 0 : i32
        %dma_start3A_21 = arith.constant 0 : i32
        %dma_start3A_22 = tpu.memref_slice %arg8[%dma_start3A_20, %dma_start3A_21] : memref<10112x16xf32, #tpu.memory_space<vmem_shared>> -> memref<10112x16xf32, #tpu.memory_space<vmem_shared>>
        tpu.enqueue_indirect_dma source(%arg7 : memref<128x16xf32, #tpu.memory_space<vmem>>) target(%dma_start3A_22 : memref<10112x16xf32, #tpu.memory_space<vmem_shared>>) offsets(%dma_start3A_19 : memref<128xi32, #tpu.memory_space<vmem>>) semaphore(%run_scoped3A : memref<!tpu.dma_semaphore, #tpu.memory_space<semaphore_mem>>) {add = true}
        %dma_wait3A = arith.constant 0 : i32
        %dma_wait3A_23 = tpu.memref_slice %arg6[%scan3A_17, %dma_wait3A] : memref<80x128xi32, #tpu.memory_space<vmem>> -> memref<1x128xi32, #tpu.memory_space<vmem>>
        %dma_wait3A_24 = tpu.memref_squeeze %dma_wait3A_23 : memref<1x128xi32, #tpu.memory_space<vmem>> -> memref<128xi32, #tpu.memory_space<vmem>>
        %dma_wait3A_25 = arith.constant 0 : i32
        %dma_wait3A_26 = arith.constant 0 : i32
        %dma_wait3A_27 = tpu.memref_slice %arg8[%dma_wait3A_25, %dma_wait3A_26] : memref<10112x16xf32, #tpu.memory_space<vmem_shared>> -> memref<10112x16xf32, #tpu.memory_space<vmem_shared>>
        tpu.wait_indirect_dma semaphore(%run_scoped3A : memref<!tpu.dma_semaphore, #tpu.memory_space<semaphore_mem>>) src(%arg7 : memref<128x16xf32, #tpu.memory_space<vmem>>) dst(%dma_wait3A_27 : memref<10112x16xf32, #tpu.memory_space<vmem_shared>>)
        tpu.yield
      }) : () -> ()
    }
    %scan3A_11 = arith.constant 80 : i32
    %barrier3A_12 = arith.constant 0 : index
    tpu.barrier barrier_id(%barrier3A_12)
    %mul3A_13 = arith.constant 632 : i32
    %mul3A_14 = arith.muli %arg1, %mul3A_13 : i32
    %mul3A_15 = arith.constant 632 : i32
    %mul3A_16 = arith.muli %arg1, %mul3A_15 : i32
    "tpu.region"() ({
      %run_scoped3A = tpu.sem_alloc : memref<!tpu.dma_semaphore, #tpu.memory_space<semaphore_mem>>
      %dma_start3A = arith.constant 0 : i32
      %dma_start3A_17 = tpu.memref_slice %arg5[%arg0, %mul3A_16, %dma_start3A] : memref<2x10112x16xf32, #tpu.memory_space<hbm>> -> memref<1x632x16xf32, #tpu.memory_space<hbm>>
      %dma_start3A_18 = tpu.memref_squeeze %dma_start3A_17 : memref<1x632x16xf32, #tpu.memory_space<hbm>> -> memref<632x16xf32, #tpu.memory_space<hbm>>
      %dma_start3A_19 = arith.constant 0 : i32
      %dma_start3A_20 = tpu.memref_slice %arg8[%mul3A_14, %dma_start3A_19] : memref<10112x16xf32, #tpu.memory_space<vmem_shared>> -> memref<632x16xf32, #tpu.memory_space<vmem_shared>>
      tpu.enqueue_dma source(%dma_start3A_20 : memref<632x16xf32, #tpu.memory_space<vmem_shared>>) target(%dma_start3A_18 : memref<632x16xf32, #tpu.memory_space<hbm>>) target_semaphore(%run_scoped3A : memref<!tpu.dma_semaphore, #tpu.memory_space<semaphore_mem>>)
      %dma_wait3A = arith.constant 0 : i32
      %dma_wait3A_21 = tpu.memref_slice %arg5[%arg0, %mul3A_16, %dma_wait3A] : memref<2x10112x16xf32, #tpu.memory_space<hbm>> -> memref<1x632x16xf32, #tpu.memory_space<hbm>>
      %dma_wait3A_22 = tpu.memref_squeeze %dma_wait3A_21 : memref<1x632x16xf32, #tpu.memory_space<hbm>> -> memref<632x16xf32, #tpu.memory_space<hbm>>
      %dma_wait3A_23 = arith.constant 0 : i32
      %dma_wait3A_24 = tpu.memref_slice %arg8[%mul3A_14, %dma_wait3A_23] : memref<10112x16xf32, #tpu.memory_space<vmem_shared>> -> memref<632x16xf32, #tpu.memory_space<vmem_shared>>
      tpu.wait_dma2 semaphore(%run_scoped3A : memref<!tpu.dma_semaphore, #tpu.memory_space<semaphore_mem>>) src(%dma_wait3A_24 : memref<632x16xf32, #tpu.memory_space<vmem_shared>>) dst(%dma_wait3A_22 : memref<632x16xf32, #tpu.memory_space<hbm>>)
      tpu.yield
    }) : () -> ()
    return
  }
}

#map = affine_map<(d0, d1) -> (0, 0)>
#map1 = affine_map<(d0, d1) -> (0, 0, 0)>
module attributes {stable_mosaic.version = 14 : i64} {
  func.func @k(%arg0: i32, %arg1: i32, %arg2: memref<10000x128xf32, #tpu.memory_space<hbm>>, %arg3: memref<2560x2x128xi32, #tpu.memory_space<hbm>>, %arg4: memref<10112x128xf32, #tpu.memory_space<hbm>>, %arg5: memref<2x10112x128xf32, #tpu.memory_space<hbm>>, %arg6: memref<2x128xi32, #tpu.memory_space<vmem>>, %arg7: memref<2x128xi32, #tpu.memory_space<vmem>>, %arg8: memref<2x128xi32, #tpu.memory_space<vmem>>, %arg9: memref<2x128xi32, #tpu.memory_space<vmem>>, %arg10: memref<128x128xf32, #tpu.memory_space<vmem>>, %arg11: memref<128x128xf32, #tpu.memory_space<vmem>>, %arg12: memref<10112x128xf32, #tpu.memory_space<vmem_shared>>, %arg13: memref<!tpu.dma_semaphore, #tpu.memory_space<semaphore_mem>>, %arg14: memref<!tpu.dma_semaphore, #tpu.memory_space<semaphore_mem>>, %arg15: memref<!tpu.dma_semaphore, #tpu.memory_space<semaphore_mem>>, %arg16: memref<!tpu.dma_semaphore, #tpu.memory_space<semaphore_mem>>, %arg17: memref<!tpu.dma_semaphore, #tpu.memory_space<semaphore_mem>>, %arg18: memref<!tpu.dma_semaphore, #tpu.memory_space<semaphore_mem>>, %arg19: memref<!tpu.dma_semaphore, #tpu.memory_space<semaphore_mem>>, %arg20: memref<!tpu.dma_semaphore, #tpu.memory_space<semaphore_mem>>) attributes {dimension_semantics = [#tpu.dimension_semantics<core_parallel>, #tpu.dimension_semantics<subcore_parallel>], iteration_bounds = array<i64: 2, 16>, scalar_prefetch = 0 : i64, scratch_operands = 15 : i64, tpu.core_type = #tpu.core_type<sc_vector_subcore>, window_params = [{transform_indices = #map}, {transform_indices = #map1}, {transform_indices = #map}, {transform_indices = #map1}]} {
    %mul3A = arith.constant 16 : i32
    %mul3A_0 = arith.muli %arg0, %mul3A : i32
    %add3A = arith.addi %mul3A_0, %arg1 : i32
    %mul3A_1 = arith.constant 80 : i32
    %mul3A_2 = arith.muli %add3A, %mul3A_1 : i32
    %mul3A_3 = arith.constant 632 : i32
    %mul3A_4 = arith.muli %arg1, %mul3A_3 : i32
    %mul3A_5 = arith.constant 632 : i32
    %mul3A_6 = arith.muli %arg1, %mul3A_5 : i32
    "tpu.region"() ({
      %run_scoped3A = tpu.sem_alloc : memref<!tpu.dma_semaphore, #tpu.memory_space<semaphore_mem>>
      %dma_start3A_113 = arith.constant 0 : i32
      %dma_start3A_114 = tpu.memref_slice %arg12[%mul3A_6, %dma_start3A_113] : memref<10112x128xf32, #tpu.memory_space<vmem_shared>> -> memref<632x128xf32, #tpu.memory_space<vmem_shared>>
      %dma_start3A_115 = arith.constant 0 : i32
      %dma_start3A_116 = tpu.memref_slice %arg4[%mul3A_4, %dma_start3A_115] : memref<10112x128xf32, #tpu.memory_space<hbm>> -> memref<632x128xf32, #tpu.memory_space<hbm>>
      tpu.enqueue_dma source(%dma_start3A_116 : memref<632x128xf32, #tpu.memory_space<hbm>>) target(%dma_start3A_114 : memref<632x128xf32, #tpu.memory_space<vmem_shared>>) target_semaphore(%run_scoped3A : memref<!tpu.dma_semaphore, #tpu.memory_space<semaphore_mem>>)
      %dma_wait3A_117 = arith.constant 0 : i32
      %dma_wait3A_118 = tpu.memref_slice %arg12[%mul3A_6, %dma_wait3A_117] : memref<10112x128xf32, #tpu.memory_space<vmem_shared>> -> memref<632x128xf32, #tpu.memory_space<vmem_shared>>
      %dma_wait3A_119 = arith.constant 0 : i32
      %dma_wait3A_120 = tpu.memref_slice %arg4[%mul3A_4, %dma_wait3A_119] : memref<10112x128xf32, #tpu.memory_space<hbm>> -> memref<632x128xf32, #tpu.memory_space<hbm>>
      tpu.wait_dma2 semaphore(%run_scoped3A : memref<!tpu.dma_semaphore, #tpu.memory_space<semaphore_mem>>) src(%dma_wait3A_120 : memref<632x128xf32, #tpu.memory_space<hbm>>) dst(%dma_wait3A_118 : memref<632x128xf32, #tpu.memory_space<vmem_shared>>)
      tpu.yield
    }) : () -> ()
    %barrier3A = arith.constant 0 : index
    tpu.barrier barrier_id(%barrier3A)
    %add3A_7 = arith.constant 0 : i32
    %add3A_8 = arith.addi %mul3A_2, %add3A_7 : i32
    %dma_start3A = arith.constant 0 : i32
    %dma_start3A_9 = arith.constant 0 : i32
    %dma_start3A_10 = tpu.memref_slice %arg3[%add3A_8, %dma_start3A, %dma_start3A_9] : memref<2560x2x128xi32, #tpu.memory_space<hbm>> -> memref<1x2x128xi32, #tpu.memory_space<hbm>>
    %dma_start3A_11 = tpu.memref_squeeze %dma_start3A_10 : memref<1x2x128xi32, #tpu.memory_space<hbm>> -> memref<2x128xi32, #tpu.memory_space<hbm>>
    %dma_start3A_12 = arith.constant 0 : i32
    %dma_start3A_13 = arith.constant 0 : i32
    %dma_start3A_14 = tpu.memref_slice %arg3[%add3A_8, %dma_start3A_12, %dma_start3A_13] : memref<2560x2x128xi32, #tpu.memory_space<hbm>> -> memref<1x2x128xi32, #tpu.memory_space<hbm>>
    %dma_start3A_15 = tpu.memref_squeeze %dma_start3A_14 : memref<1x2x128xi32, #tpu.memory_space<hbm>> -> memref<2x128xi32, #tpu.memory_space<hbm>>
    tpu.enqueue_dma source(%dma_start3A_15 : memref<2x128xi32, #tpu.memory_space<hbm>>) target(%arg6 : memref<2x128xi32, #tpu.memory_space<vmem>>) target_semaphore(%arg13 : memref<!tpu.dma_semaphore, #tpu.memory_space<semaphore_mem>>)
    %add3A_16 = arith.constant 1 : i32
    %add3A_17 = arith.addi %mul3A_2, %add3A_16 : i32
    %dma_start3A_18 = arith.constant 0 : i32
    %dma_start3A_19 = arith.constant 0 : i32
    %dma_start3A_20 = tpu.memref_slice %arg3[%add3A_17, %dma_start3A_18, %dma_start3A_19] : memref<2560x2x128xi32, #tpu.memory_space<hbm>> -> memref<1x2x128xi32, #tpu.memory_space<hbm>>
    %dma_start3A_21 = tpu.memref_squeeze %dma_start3A_20 : memref<1x2x128xi32, #tpu.memory_space<hbm>> -> memref<2x128xi32, #tpu.memory_space<hbm>>
    %dma_start3A_22 = arith.constant 0 : i32
    %dma_start3A_23 = arith.constant 0 : i32
    %dma_start3A_24 = tpu.memref_slice %arg3[%add3A_17, %dma_start3A_22, %dma_start3A_23] : memref<2560x2x128xi32, #tpu.memory_space<hbm>> -> memref<1x2x128xi32, #tpu.memory_space<hbm>>
    %dma_start3A_25 = tpu.memref_squeeze %dma_start3A_24 : memref<1x2x128xi32, #tpu.memory_space<hbm>> -> memref<2x128xi32, #tpu.memory_space<hbm>>
    tpu.enqueue_dma source(%dma_start3A_25 : memref<2x128xi32, #tpu.memory_space<hbm>>) target(%arg7 : memref<2x128xi32, #tpu.memory_space<vmem>>) target_semaphore(%arg14 : memref<!tpu.dma_semaphore, #tpu.memory_space<semaphore_mem>>)
    %add3A_26 = arith.constant 2 : i32
    %add3A_27 = arith.addi %mul3A_2, %add3A_26 : i32
    %dma_start3A_28 = arith.constant 0 : i32
    %dma_start3A_29 = arith.constant 0 : i32
    %dma_start3A_30 = tpu.memref_slice %arg3[%add3A_27, %dma_start3A_28, %dma_start3A_29] : memref<2560x2x128xi32, #tpu.memory_space<hbm>> -> memref<1x2x128xi32, #tpu.memory_space<hbm>>
    %dma_start3A_31 = tpu.memref_squeeze %dma_start3A_30 : memref<1x2x128xi32, #tpu.memory_space<hbm>> -> memref<2x128xi32, #tpu.memory_space<hbm>>
    %dma_start3A_32 = arith.constant 0 : i32
    %dma_start3A_33 = arith.constant 0 : i32
    %dma_start3A_34 = tpu.memref_slice %arg3[%add3A_27, %dma_start3A_32, %dma_start3A_33] : memref<2560x2x128xi32, #tpu.memory_space<hbm>> -> memref<1x2x128xi32, #tpu.memory_space<hbm>>
    %dma_start3A_35 = tpu.memref_squeeze %dma_start3A_34 : memref<1x2x128xi32, #tpu.memory_space<hbm>> -> memref<2x128xi32, #tpu.memory_space<hbm>>
    tpu.enqueue_dma source(%dma_start3A_35 : memref<2x128xi32, #tpu.memory_space<hbm>>) target(%arg8 : memref<2x128xi32, #tpu.memory_space<vmem>>) target_semaphore(%arg15 : memref<!tpu.dma_semaphore, #tpu.memory_space<semaphore_mem>>)
    %add3A_36 = arith.constant 3 : i32
    %add3A_37 = arith.addi %mul3A_2, %add3A_36 : i32
    %dma_start3A_38 = arith.constant 0 : i32
    %dma_start3A_39 = arith.constant 0 : i32
    %dma_start3A_40 = tpu.memref_slice %arg3[%add3A_37, %dma_start3A_38, %dma_start3A_39] : memref<2560x2x128xi32, #tpu.memory_space<hbm>> -> memref<1x2x128xi32, #tpu.memory_space<hbm>>
    %dma_start3A_41 = tpu.memref_squeeze %dma_start3A_40 : memref<1x2x128xi32, #tpu.memory_space<hbm>> -> memref<2x128xi32, #tpu.memory_space<hbm>>
    %dma_start3A_42 = arith.constant 0 : i32
    %dma_start3A_43 = arith.constant 0 : i32
    %dma_start3A_44 = tpu.memref_slice %arg3[%add3A_37, %dma_start3A_42, %dma_start3A_43] : memref<2560x2x128xi32, #tpu.memory_space<hbm>> -> memref<1x2x128xi32, #tpu.memory_space<hbm>>
    %dma_start3A_45 = tpu.memref_squeeze %dma_start3A_44 : memref<1x2x128xi32, #tpu.memory_space<hbm>> -> memref<2x128xi32, #tpu.memory_space<hbm>>
    tpu.enqueue_dma source(%dma_start3A_45 : memref<2x128xi32, #tpu.memory_space<hbm>>) target(%arg9 : memref<2x128xi32, #tpu.memory_space<vmem>>) target_semaphore(%arg16 : memref<!tpu.dma_semaphore, #tpu.memory_space<semaphore_mem>>)
    %dma_wait3A = arith.constant 0 : i32
    %dma_wait3A_46 = arith.constant 0 : i32
    %dma_wait3A_47 = tpu.memref_slice %arg3[%mul3A_2, %dma_wait3A, %dma_wait3A_46] : memref<2560x2x128xi32, #tpu.memory_space<hbm>> -> memref<1x2x128xi32, #tpu.memory_space<hbm>>
    %dma_wait3A_48 = tpu.memref_squeeze %dma_wait3A_47 : memref<1x2x128xi32, #tpu.memory_space<hbm>> -> memref<2x128xi32, #tpu.memory_space<hbm>>
    %dma_wait3A_49 = arith.constant 0 : i32
    %dma_wait3A_50 = arith.constant 0 : i32
    %dma_wait3A_51 = tpu.memref_slice %arg3[%mul3A_2, %dma_wait3A_49, %dma_wait3A_50] : memref<2560x2x128xi32, #tpu.memory_space<hbm>> -> memref<1x2x128xi32, #tpu.memory_space<hbm>>
    %dma_wait3A_52 = tpu.memref_squeeze %dma_wait3A_51 : memref<1x2x128xi32, #tpu.memory_space<hbm>> -> memref<2x128xi32, #tpu.memory_space<hbm>>
    tpu.wait_dma2 semaphore(%arg13 : memref<!tpu.dma_semaphore, #tpu.memory_space<semaphore_mem>>) src(%dma_wait3A_52 : memref<2x128xi32, #tpu.memory_space<hbm>>) dst(%arg6 : memref<2x128xi32, #tpu.memory_space<vmem>>)
    %dma_start3A_53 = arith.constant 0 : i32
    %dma_start3A_54 = arith.constant 0 : i32
    %dma_start3A_55 = tpu.memref_slice %arg6[%dma_start3A_53, %dma_start3A_54] : memref<2x128xi32, #tpu.memory_space<vmem>> -> memref<1x128xi32, #tpu.memory_space<vmem>>
    %dma_start3A_56 = tpu.memref_squeeze %dma_start3A_55 : memref<1x128xi32, #tpu.memory_space<vmem>> -> memref<128xi32, #tpu.memory_space<vmem>>
    %dma_start3A_57 = arith.constant 0 : i32
    %dma_start3A_58 = arith.constant 0 : i32
    %dma_start3A_59 = tpu.memref_slice %arg2[%dma_start3A_57, %dma_start3A_58] : memref<10000x128xf32, #tpu.memory_space<hbm>> -> memref<10000x128xf32, #tpu.memory_space<hbm>>
    tpu.enqueue_indirect_dma source(%dma_start3A_59 : memref<10000x128xf32, #tpu.memory_space<hbm>>) target(%arg10 : memref<128x128xf32, #tpu.memory_space<vmem>>) offsets(%dma_start3A_56 : memref<128xi32, #tpu.memory_space<vmem>>) semaphore(%arg17 : memref<!tpu.dma_semaphore, #tpu.memory_space<semaphore_mem>>)
    %dma_start3A_60 = arith.constant 0 : i32
    %dma_start3A_61 = arith.constant 0 : i32
    %dma_start3A_62 = tpu.memref_slice %arg4[%dma_start3A_60, %dma_start3A_61] : memref<10112x128xf32, #tpu.memory_space<hbm>> -> memref<128x128xf32, #tpu.memory_space<hbm>>
    %dma_start3A_63 = arith.constant 0 : i32
    %dma_start3A_64 = arith.constant 0 : i32
    %dma_start3A_65 = tpu.memref_slice %arg4[%dma_start3A_63, %dma_start3A_64] : memref<10112x128xf32, #tpu.memory_space<hbm>> -> memref<128x128xf32, #tpu.memory_space<hbm>>
    tpu.enqueue_dma source(%dma_start3A_65 : memref<128x128xf32, #tpu.memory_space<hbm>>) target(%arg11 : memref<128x128xf32, #tpu.memory_space<vmem>>) target_semaphore(%arg20 : memref<!tpu.dma_semaphore, #tpu.memory_space<semaphore_mem>>)
    %scan3A = arith.constant 0 : i32
    %scan3A_66 = arith.constant 0 : i32
    %scan3A_67 = arith.constant 20 : i32
    %scan3A_68 = arith.addi %scan3A_66, %scan3A_67 : i32
    %scan3A_69 = arith.constant 1 : i32
    scf.for %scan3A_113 = %scan3A_66 to %scan3A_68 step %scan3A_69  : i32 {
      %mul3A_114 = arith.constant 4 : i32
      %mul3A_115 = arith.muli %mul3A_114, %scan3A_113 : i32
      %dma_wait3A_116 = arith.constant 0 : i32
      %dma_wait3A_117 = arith.constant 0 : i32
      %dma_wait3A_118 = tpu.memref_slice %arg3[%mul3A_2, %dma_wait3A_116, %dma_wait3A_117] : memref<2560x2x128xi32, #tpu.memory_space<hbm>> -> memref<1x2x128xi32, #tpu.memory_space<hbm>>
      %dma_wait3A_119 = tpu.memref_squeeze %dma_wait3A_118 : memref<1x2x128xi32, #tpu.memory_space<hbm>> -> memref<2x128xi32, #tpu.memory_space<hbm>>
      %dma_wait3A_120 = arith.constant 0 : i32
      %dma_wait3A_121 = arith.constant 0 : i32
      %dma_wait3A_122 = tpu.memref_slice %arg3[%mul3A_2, %dma_wait3A_120, %dma_wait3A_121] : memref<2560x2x128xi32, #tpu.memory_space<hbm>> -> memref<1x2x128xi32, #tpu.memory_space<hbm>>
      %dma_wait3A_123 = tpu.memref_squeeze %dma_wait3A_122 : memref<1x2x128xi32, #tpu.memory_space<hbm>> -> memref<2x128xi32, #tpu.memory_space<hbm>>
      tpu.wait_dma2 semaphore(%arg14 : memref<!tpu.dma_semaphore, #tpu.memory_space<semaphore_mem>>) src(%dma_wait3A_123 : memref<2x128xi32, #tpu.memory_space<hbm>>) dst(%arg7 : memref<2x128xi32, #tpu.memory_space<vmem>>)
      %dma_wait3A_124 = arith.constant 0 : i32
      %dma_wait3A_125 = arith.constant 0 : i32
      %dma_wait3A_126 = tpu.memref_slice %arg7[%dma_wait3A_124, %dma_wait3A_125] : memref<2x128xi32, #tpu.memory_space<vmem>> -> memref<1x128xi32, #tpu.memory_space<vmem>>
      %dma_wait3A_127 = tpu.memref_squeeze %dma_wait3A_126 : memref<1x128xi32, #tpu.memory_space<vmem>> -> memref<128xi32, #tpu.memory_space<vmem>>
      %dma_wait3A_128 = arith.constant 0 : i32
      %dma_wait3A_129 = arith.constant 0 : i32
      %dma_wait3A_130 = tpu.memref_slice %arg2[%dma_wait3A_128, %dma_wait3A_129] : memref<10000x128xf32, #tpu.memory_space<hbm>> -> memref<10000x128xf32, #tpu.memory_space<hbm>>
      tpu.wait_indirect_dma semaphore(%arg17 : memref<!tpu.dma_semaphore, #tpu.memory_space<semaphore_mem>>) src(%dma_wait3A_130 : memref<10000x128xf32, #tpu.memory_space<hbm>>) dst(%arg10 : memref<128x128xf32, #tpu.memory_space<vmem>>)
      %dma_start3A_131 = arith.constant 1 : i32
      %dma_start3A_132 = arith.constant 0 : i32
      %dma_start3A_133 = tpu.memref_slice %arg6[%dma_start3A_131, %dma_start3A_132] : memref<2x128xi32, #tpu.memory_space<vmem>> -> memref<1x128xi32, #tpu.memory_space<vmem>>
      %dma_start3A_134 = tpu.memref_squeeze %dma_start3A_133 : memref<1x128xi32, #tpu.memory_space<vmem>> -> memref<128xi32, #tpu.memory_space<vmem>>
      %dma_start3A_135 = arith.constant 0 : i32
      %dma_start3A_136 = arith.constant 0 : i32
      %dma_start3A_137 = tpu.memref_slice %arg12[%dma_start3A_135, %dma_start3A_136] : memref<10112x128xf32, #tpu.memory_space<vmem_shared>> -> memref<10112x128xf32, #tpu.memory_space<vmem_shared>>
      tpu.enqueue_indirect_dma source(%arg10 : memref<128x128xf32, #tpu.memory_space<vmem>>) target(%dma_start3A_137 : memref<10112x128xf32, #tpu.memory_space<vmem_shared>>) offsets(%dma_start3A_134 : memref<128xi32, #tpu.memory_space<vmem>>) semaphore(%arg19 : memref<!tpu.dma_semaphore, #tpu.memory_space<semaphore_mem>>) {add = true}
      %dma_wait3A_138 = arith.constant 0 : i32
      %dma_wait3A_139 = arith.constant 0 : i32
      %dma_wait3A_140 = tpu.memref_slice %arg4[%dma_wait3A_138, %dma_wait3A_139] : memref<10112x128xf32, #tpu.memory_space<hbm>> -> memref<128x128xf32, #tpu.memory_space<hbm>>
      %dma_wait3A_141 = arith.constant 0 : i32
      %dma_wait3A_142 = arith.constant 0 : i32
      %dma_wait3A_143 = tpu.memref_slice %arg4[%dma_wait3A_141, %dma_wait3A_142] : memref<10112x128xf32, #tpu.memory_space<hbm>> -> memref<128x128xf32, #tpu.memory_space<hbm>>
      tpu.wait_dma2 semaphore(%arg20 : memref<!tpu.dma_semaphore, #tpu.memory_space<semaphore_mem>>) src(%dma_wait3A_143 : memref<128x128xf32, #tpu.memory_space<hbm>>) dst(%arg11 : memref<128x128xf32, #tpu.memory_space<vmem>>)
      %dma_start3A_144 = arith.constant 0 : i32
      %dma_start3A_145 = arith.constant 0 : i32
      %dma_start3A_146 = tpu.memref_slice %arg7[%dma_start3A_144, %dma_start3A_145] : memref<2x128xi32, #tpu.memory_space<vmem>> -> memref<1x128xi32, #tpu.memory_space<vmem>>
      %dma_start3A_147 = tpu.memref_squeeze %dma_start3A_146 : memref<1x128xi32, #tpu.memory_space<vmem>> -> memref<128xi32, #tpu.memory_space<vmem>>
      %dma_start3A_148 = arith.constant 0 : i32
      %dma_start3A_149 = arith.constant 0 : i32
      %dma_start3A_150 = tpu.memref_slice %arg2[%dma_start3A_148, %dma_start3A_149] : memref<10000x128xf32, #tpu.memory_space<hbm>> -> memref<10000x128xf32, #tpu.memory_space<hbm>>
      tpu.enqueue_indirect_dma source(%dma_start3A_150 : memref<10000x128xf32, #tpu.memory_space<hbm>>) target(%arg11 : memref<128x128xf32, #tpu.memory_space<vmem>>) offsets(%dma_start3A_147 : memref<128xi32, #tpu.memory_space<vmem>>) semaphore(%arg18 : memref<!tpu.dma_semaphore, #tpu.memory_space<semaphore_mem>>)
      %add3A_151 = arith.constant 0 : i32
      %add3A_152 = arith.addi %mul3A_115, %add3A_151 : i32
      %add3A_153 = arith.constant 4 : i32
      %add3A_154 = arith.addi %add3A_152, %add3A_153 : i32
      %min3A = arith.constant 79 : i32
      %min3A_155 = arith.minsi %add3A_154, %min3A : i32
      %add3A_156 = arith.addi %mul3A_2, %min3A_155 : i32
      %dma_start3A_157 = arith.constant 0 : i32
      %dma_start3A_158 = arith.constant 0 : i32
      %dma_start3A_159 = tpu.memref_slice %arg3[%add3A_156, %dma_start3A_157, %dma_start3A_158] : memref<2560x2x128xi32, #tpu.memory_space<hbm>> -> memref<1x2x128xi32, #tpu.memory_space<hbm>>
      %dma_start3A_160 = tpu.memref_squeeze %dma_start3A_159 : memref<1x2x128xi32, #tpu.memory_space<hbm>> -> memref<2x128xi32, #tpu.memory_space<hbm>>
      %dma_start3A_161 = arith.constant 0 : i32
      %dma_start3A_162 = arith.constant 0 : i32
      %dma_start3A_163 = tpu.memref_slice %arg3[%add3A_156, %dma_start3A_161, %dma_start3A_162] : memref<2560x2x128xi32, #tpu.memory_space<hbm>> -> memref<1x2x128xi32, #tpu.memory_space<hbm>>
      %dma_start3A_164 = tpu.memref_squeeze %dma_start3A_163 : memref<1x2x128xi32, #tpu.memory_space<hbm>> -> memref<2x128xi32, #tpu.memory_space<hbm>>
      tpu.enqueue_dma source(%dma_start3A_164 : memref<2x128xi32, #tpu.memory_space<hbm>>) target(%arg6 : memref<2x128xi32, #tpu.memory_space<vmem>>) target_semaphore(%arg13 : memref<!tpu.dma_semaphore, #tpu.memory_space<semaphore_mem>>)
      %dma_wait3A_165 = arith.constant 0 : i32
      %dma_wait3A_166 = arith.constant 0 : i32
      %dma_wait3A_167 = tpu.memref_slice %arg3[%mul3A_2, %dma_wait3A_165, %dma_wait3A_166] : memref<2560x2x128xi32, #tpu.memory_space<hbm>> -> memref<1x2x128xi32, #tpu.memory_space<hbm>>
      %dma_wait3A_168 = tpu.memref_squeeze %dma_wait3A_167 : memref<1x2x128xi32, #tpu.memory_space<hbm>> -> memref<2x128xi32, #tpu.memory_space<hbm>>
      %dma_wait3A_169 = arith.constant 0 : i32
      %dma_wait3A_170 = arith.constant 0 : i32
      %dma_wait3A_171 = tpu.memref_slice %arg3[%mul3A_2, %dma_wait3A_169, %dma_wait3A_170] : memref<2560x2x128xi32, #tpu.memory_space<hbm>> -> memref<1x2x128xi32, #tpu.memory_space<hbm>>
      %dma_wait3A_172 = tpu.memref_squeeze %dma_wait3A_171 : memref<1x2x128xi32, #tpu.memory_space<hbm>> -> memref<2x128xi32, #tpu.memory_space<hbm>>
      tpu.wait_dma2 semaphore(%arg15 : memref<!tpu.dma_semaphore, #tpu.memory_space<semaphore_mem>>) src(%dma_wait3A_172 : memref<2x128xi32, #tpu.memory_space<hbm>>) dst(%arg8 : memref<2x128xi32, #tpu.memory_space<vmem>>)
      %dma_wait3A_173 = arith.constant 0 : i32
      %dma_wait3A_174 = arith.constant 0 : i32
      %dma_wait3A_175 = tpu.memref_slice %arg8[%dma_wait3A_173, %dma_wait3A_174] : memref<2x128xi32, #tpu.memory_space<vmem>> -> memref<1x128xi32, #tpu.memory_space<vmem>>
      %dma_wait3A_176 = tpu.memref_squeeze %dma_wait3A_175 : memref<1x128xi32, #tpu.memory_space<vmem>> -> memref<128xi32, #tpu.memory_space<vmem>>
      %dma_wait3A_177 = arith.constant 0 : i32
      %dma_wait3A_178 = arith.constant 0 : i32
      %dma_wait3A_179 = tpu.memref_slice %arg2[%dma_wait3A_177, %dma_wait3A_178] : memref<10000x128xf32, #tpu.memory_space<hbm>> -> memref<10000x128xf32, #tpu.memory_space<hbm>>
      tpu.wait_indirect_dma semaphore(%arg18 : memref<!tpu.dma_semaphore, #tpu.memory_space<semaphore_mem>>) src(%dma_wait3A_179 : memref<10000x128xf32, #tpu.memory_space<hbm>>) dst(%arg11 : memref<128x128xf32, #tpu.memory_space<vmem>>)
      %dma_start3A_180 = arith.constant 1 : i32
      %dma_start3A_181 = arith.constant 0 : i32
      %dma_start3A_182 = tpu.memref_slice %arg7[%dma_start3A_180, %dma_start3A_181] : memref<2x128xi32, #tpu.memory_space<vmem>> -> memref<1x128xi32, #tpu.memory_space<vmem>>
      %dma_start3A_183 = tpu.memref_squeeze %dma_start3A_182 : memref<1x128xi32, #tpu.memory_space<vmem>> -> memref<128xi32, #tpu.memory_space<vmem>>
      %dma_start3A_184 = arith.constant 0 : i32
      %dma_start3A_185 = arith.constant 0 : i32
      %dma_start3A_186 = tpu.memref_slice %arg12[%dma_start3A_184, %dma_start3A_185] : memref<10112x128xf32, #tpu.memory_space<vmem_shared>> -> memref<10112x128xf32, #tpu.memory_space<vmem_shared>>
      tpu.enqueue_indirect_dma source(%arg11 : memref<128x128xf32, #tpu.memory_space<vmem>>) target(%dma_start3A_186 : memref<10112x128xf32, #tpu.memory_space<vmem_shared>>) offsets(%dma_start3A_183 : memref<128xi32, #tpu.memory_space<vmem>>) semaphore(%arg20 : memref<!tpu.dma_semaphore, #tpu.memory_space<semaphore_mem>>) {add = true}
      %dma_wait3A_187 = arith.constant 0 : i32
      %dma_wait3A_188 = arith.constant 0 : i32
      %dma_wait3A_189 = tpu.memref_slice %arg4[%dma_wait3A_187, %dma_wait3A_188] : memref<10112x128xf32, #tpu.memory_space<hbm>> -> memref<128x128xf32, #tpu.memory_space<hbm>>
      %dma_wait3A_190 = arith.constant 0 : i32
      %dma_wait3A_191 = arith.constant 0 : i32
      %dma_wait3A_192 = tpu.memref_slice %arg4[%dma_wait3A_190, %dma_wait3A_191] : memref<10112x128xf32, #tpu.memory_space<hbm>> -> memref<128x128xf32, #tpu.memory_space<hbm>>
      tpu.wait_dma2 semaphore(%arg19 : memref<!tpu.dma_semaphore, #tpu.memory_space<semaphore_mem>>) src(%dma_wait3A_192 : memref<128x128xf32, #tpu.memory_space<hbm>>) dst(%arg10 : memref<128x128xf32, #tpu.memory_space<vmem>>)
      %dma_start3A_193 = arith.constant 0 : i32
      %dma_start3A_194 = arith.constant 0 : i32
      %dma_start3A_195 = tpu.memref_slice %arg8[%dma_start3A_193, %dma_start3A_194] : memref<2x128xi32, #tpu.memory_space<vmem>> -> memref<1x128xi32, #tpu.memory_space<vmem>>
      %dma_start3A_196 = tpu.memref_squeeze %dma_start3A_195 : memref<1x128xi32, #tpu.memory_space<vmem>> -> memref<128xi32, #tpu.memory_space<vmem>>
      %dma_start3A_197 = arith.constant 0 : i32
      %dma_start3A_198 = arith.constant 0 : i32
      %dma_start3A_199 = tpu.memref_slice %arg2[%dma_start3A_197, %dma_start3A_198] : memref<10000x128xf32, #tpu.memory_space<hbm>> -> memref<10000x128xf32, #tpu.memory_space<hbm>>
      tpu.enqueue_indirect_dma source(%dma_start3A_199 : memref<10000x128xf32, #tpu.memory_space<hbm>>) target(%arg10 : memref<128x128xf32, #tpu.memory_space<vmem>>) offsets(%dma_start3A_196 : memref<128xi32, #tpu.memory_space<vmem>>) semaphore(%arg17 : memref<!tpu.dma_semaphore, #tpu.memory_space<semaphore_mem>>)
      %add3A_200 = arith.constant 1 : i32
      %add3A_201 = arith.addi %mul3A_115, %add3A_200 : i32
      %add3A_202 = arith.constant 4 : i32
      %add3A_203 = arith.addi %add3A_201, %add3A_202 : i32
      %min3A_204 = arith.constant 79 : i32
      %min3A_205 = arith.minsi %add3A_203, %min3A_204 : i32
      %add3A_206 = arith.addi %mul3A_2, %min3A_205 : i32
      %dma_start3A_207 = arith.constant 0 : i32
      %dma_start3A_208 = arith.constant 0 : i32
      %dma_start3A_209 = tpu.memref_slice %arg3[%add3A_206, %dma_start3A_207, %dma_start3A_208] : memref<2560x2x128xi32, #tpu.memory_space<hbm>> -> memref<1x2x128xi32, #tpu.memory_space<hbm>>
      %dma_start3A_210 = tpu.memref_squeeze %dma_start3A_209 : memref<1x2x128xi32, #tpu.memory_space<hbm>> -> memref<2x128xi32, #tpu.memory_space<hbm>>
      %dma_start3A_211 = arith.constant 0 : i32
      %dma_start3A_212 = arith.constant 0 : i32
      %dma_start3A_213 = tpu.memref_slice %arg3[%add3A_206, %dma_start3A_211, %dma_start3A_212] : memref<2560x2x128xi32, #tpu.memory_space<hbm>> -> memref<1x2x128xi32, #tpu.memory_space<hbm>>
      %dma_start3A_214 = tpu.memref_squeeze %dma_start3A_213 : memref<1x2x128xi32, #tpu.memory_space<hbm>> -> memref<2x128xi32, #tpu.memory_space<hbm>>
      tpu.enqueue_dma source(%dma_start3A_214 : memref<2x128xi32, #tpu.memory_space<hbm>>) target(%arg7 : memref<2x128xi32, #tpu.memory_space<vmem>>) target_semaphore(%arg14 : memref<!tpu.dma_semaphore, #tpu.memory_space<semaphore_mem>>)
      %dma_wait3A_215 = arith.constant 0 : i32
      %dma_wait3A_216 = arith.constant 0 : i32
      %dma_wait3A_217 = tpu.memref_slice %arg3[%mul3A_2, %dma_wait3A_215, %dma_wait3A_216] : memref<2560x2x128xi32, #tpu.memory_space<hbm>> -> memref<1x2x128xi32, #tpu.memory_space<hbm>>
      %dma_wait3A_218 = tpu.memref_squeeze %dma_wait3A_217 : memref<1x2x128xi32, #tpu.memory_space<hbm>> -> memref<2x128xi32, #tpu.memory_space<hbm>>
      %dma_wait3A_219 = arith.constant 0 : i32
      %dma_wait3A_220 = arith.constant 0 : i32
      %dma_wait3A_221 = tpu.memref_slice %arg3[%mul3A_2, %dma_wait3A_219, %dma_wait3A_220] : memref<2560x2x128xi32, #tpu.memory_space<hbm>> -> memref<1x2x128xi32, #tpu.memory_space<hbm>>
      %dma_wait3A_222 = tpu.memref_squeeze %dma_wait3A_221 : memref<1x2x128xi32, #tpu.memory_space<hbm>> -> memref<2x128xi32, #tpu.memory_space<hbm>>
      tpu.wait_dma2 semaphore(%arg16 : memref<!tpu.dma_semaphore, #tpu.memory_space<semaphore_mem>>) src(%dma_wait3A_222 : memref<2x128xi32, #tpu.memory_space<hbm>>) dst(%arg9 : memref<2x128xi32, #tpu.memory_space<vmem>>)
      %dma_wait3A_223 = arith.constant 0 : i32
      %dma_wait3A_224 = arith.constant 0 : i32
      %dma_wait3A_225 = tpu.memref_slice %arg9[%dma_wait3A_223, %dma_wait3A_224] : memref<2x128xi32, #tpu.memory_space<vmem>> -> memref<1x128xi32, #tpu.memory_space<vmem>>
      %dma_wait3A_226 = tpu.memref_squeeze %dma_wait3A_225 : memref<1x128xi32, #tpu.memory_space<vmem>> -> memref<128xi32, #tpu.memory_space<vmem>>
      %dma_wait3A_227 = arith.constant 0 : i32
      %dma_wait3A_228 = arith.constant 0 : i32
      %dma_wait3A_229 = tpu.memref_slice %arg2[%dma_wait3A_227, %dma_wait3A_228] : memref<10000x128xf32, #tpu.memory_space<hbm>> -> memref<10000x128xf32, #tpu.memory_space<hbm>>
      tpu.wait_indirect_dma semaphore(%arg17 : memref<!tpu.dma_semaphore, #tpu.memory_space<semaphore_mem>>) src(%dma_wait3A_229 : memref<10000x128xf32, #tpu.memory_space<hbm>>) dst(%arg10 : memref<128x128xf32, #tpu.memory_space<vmem>>)
      %dma_start3A_230 = arith.constant 1 : i32
      %dma_start3A_231 = arith.constant 0 : i32
      %dma_start3A_232 = tpu.memref_slice %arg8[%dma_start3A_230, %dma_start3A_231] : memref<2x128xi32, #tpu.memory_space<vmem>> -> memref<1x128xi32, #tpu.memory_space<vmem>>
      %dma_start3A_233 = tpu.memref_squeeze %dma_start3A_232 : memref<1x128xi32, #tpu.memory_space<vmem>> -> memref<128xi32, #tpu.memory_space<vmem>>
      %dma_start3A_234 = arith.constant 0 : i32
      %dma_start3A_235 = arith.constant 0 : i32
      %dma_start3A_236 = tpu.memref_slice %arg12[%dma_start3A_234, %dma_start3A_235] : memref<10112x128xf32, #tpu.memory_space<vmem_shared>> -> memref<10112x128xf32, #tpu.memory_space<vmem_shared>>
      tpu.enqueue_indirect_dma source(%arg10 : memref<128x128xf32, #tpu.memory_space<vmem>>) target(%dma_start3A_236 : memref<10112x128xf32, #tpu.memory_space<vmem_shared>>) offsets(%dma_start3A_233 : memref<128xi32, #tpu.memory_space<vmem>>) semaphore(%arg19 : memref<!tpu.dma_semaphore, #tpu.memory_space<semaphore_mem>>) {add = true}
      %dma_wait3A_237 = arith.constant 0 : i32
      %dma_wait3A_238 = arith.constant 0 : i32
      %dma_wait3A_239 = tpu.memref_slice %arg4[%dma_wait3A_237, %dma_wait3A_238] : memref<10112x128xf32, #tpu.memory_space<hbm>> -> memref<128x128xf32, #tpu.memory_space<hbm>>
      %dma_wait3A_240 = arith.constant 0 : i32
      %dma_wait3A_241 = arith.constant 0 : i32
      %dma_wait3A_242 = tpu.memref_slice %arg4[%dma_wait3A_240, %dma_wait3A_241] : memref<10112x128xf32, #tpu.memory_space<hbm>> -> memref<128x128xf32, #tpu.memory_space<hbm>>
      tpu.wait_dma2 semaphore(%arg20 : memref<!tpu.dma_semaphore, #tpu.memory_space<semaphore_mem>>) src(%dma_wait3A_242 : memref<128x128xf32, #tpu.memory_space<hbm>>) dst(%arg11 : memref<128x128xf32, #tpu.memory_space<vmem>>)
      %dma_start3A_243 = arith.constant 0 : i32
      %dma_start3A_244 = arith.constant 0 : i32
      %dma_start3A_245 = tpu.memref_slice %arg9[%dma_start3A_243, %dma_start3A_244] : memref<2x128xi32, #tpu.memory_space<vmem>> -> memref<1x128xi32, #tpu.memory_space<vmem>>
      %dma_start3A_246 = tpu.memref_squeeze %dma_start3A_245 : memref<1x128xi32, #tpu.memory_space<vmem>> -> memref<128xi32, #tpu.memory_space<vmem>>
      %dma_start3A_247 = arith.constant 0 : i32
      %dma_start3A_248 = arith.constant 0 : i32
      %dma_start3A_249 = tpu.memref_slice %arg2[%dma_start3A_247, %dma_start3A_248] : memref<10000x128xf32, #tpu.memory_space<hbm>> -> memref<10000x128xf32, #tpu.memory_space<hbm>>
      tpu.enqueue_indirect_dma source(%dma_start3A_249 : memref<10000x128xf32, #tpu.memory_space<hbm>>) target(%arg11 : memref<128x128xf32, #tpu.memory_space<vmem>>) offsets(%dma_start3A_246 : memref<128xi32, #tpu.memory_space<vmem>>) semaphore(%arg18 : memref<!tpu.dma_semaphore, #tpu.memory_space<semaphore_mem>>)
      %add3A_250 = arith.constant 2 : i32
      %add3A_251 = arith.addi %mul3A_115, %add3A_250 : i32
      %add3A_252 = arith.constant 4 : i32
      %add3A_253 = arith.addi %add3A_251, %add3A_252 : i32
      %min3A_254 = arith.constant 79 : i32
      %min3A_255 = arith.minsi %add3A_253, %min3A_254 : i32
      %add3A_256 = arith.addi %mul3A_2, %min3A_255 : i32
      %dma_start3A_257 = arith.constant 0 : i32
      %dma_start3A_258 = arith.constant 0 : i32
      %dma_start3A_259 = tpu.memref_slice %arg3[%add3A_256, %dma_start3A_257, %dma_start3A_258] : memref<2560x2x128xi32, #tpu.memory_space<hbm>> -> memref<1x2x128xi32, #tpu.memory_space<hbm>>
      %dma_start3A_260 = tpu.memref_squeeze %dma_start3A_259 : memref<1x2x128xi32, #tpu.memory_space<hbm>> -> memref<2x128xi32, #tpu.memory_space<hbm>>
      %dma_start3A_261 = arith.constant 0 : i32
      %dma_start3A_262 = arith.constant 0 : i32
      %dma_start3A_263 = tpu.memref_slice %arg3[%add3A_256, %dma_start3A_261, %dma_start3A_262] : memref<2560x2x128xi32, #tpu.memory_space<hbm>> -> memref<1x2x128xi32, #tpu.memory_space<hbm>>
      %dma_start3A_264 = tpu.memref_squeeze %dma_start3A_263 : memref<1x2x128xi32, #tpu.memory_space<hbm>> -> memref<2x128xi32, #tpu.memory_space<hbm>>
      tpu.enqueue_dma source(%dma_start3A_264 : memref<2x128xi32, #tpu.memory_space<hbm>>) target(%arg8 : memref<2x128xi32, #tpu.memory_space<vmem>>) target_semaphore(%arg15 : memref<!tpu.dma_semaphore, #tpu.memory_space<semaphore_mem>>)
      %dma_wait3A_265 = arith.constant 0 : i32
      %dma_wait3A_266 = arith.constant 0 : i32
      %dma_wait3A_267 = tpu.memref_slice %arg3[%mul3A_2, %dma_wait3A_265, %dma_wait3A_266] : memref<2560x2x128xi32, #tpu.memory_space<hbm>> -> memref<1x2x128xi32, #tpu.memory_space<hbm>>
      %dma_wait3A_268 = tpu.memref_squeeze %dma_wait3A_267 : memref<1x2x128xi32, #tpu.memory_space<hbm>> -> memref<2x128xi32, #tpu.memory_space<hbm>>
      %dma_wait3A_269 = arith.constant 0 : i32
      %dma_wait3A_270 = arith.constant 0 : i32
      %dma_wait3A_271 = tpu.memref_slice %arg3[%mul3A_2, %dma_wait3A_269, %dma_wait3A_270] : memref<2560x2x128xi32, #tpu.memory_space<hbm>> -> memref<1x2x128xi32, #tpu.memory_space<hbm>>
      %dma_wait3A_272 = tpu.memref_squeeze %dma_wait3A_271 : memref<1x2x128xi32, #tpu.memory_space<hbm>> -> memref<2x128xi32, #tpu.memory_space<hbm>>
      tpu.wait_dma2 semaphore(%arg13 : memref<!tpu.dma_semaphore, #tpu.memory_space<semaphore_mem>>) src(%dma_wait3A_272 : memref<2x128xi32, #tpu.memory_space<hbm>>) dst(%arg6 : memref<2x128xi32, #tpu.memory_space<vmem>>)
      %dma_wait3A_273 = arith.constant 0 : i32
      %dma_wait3A_274 = arith.constant 0 : i32
      %dma_wait3A_275 = tpu.memref_slice %arg6[%dma_wait3A_273, %dma_wait3A_274] : memref<2x128xi32, #tpu.memory_space<vmem>> -> memref<1x128xi32, #tpu.memory_space<vmem>>
      %dma_wait3A_276 = tpu.memref_squeeze %dma_wait3A_275 : memref<1x128xi32, #tpu.memory_space<vmem>> -> memref<128xi32, #tpu.memory_space<vmem>>
      %dma_wait3A_277 = arith.constant 0 : i32
      %dma_wait3A_278 = arith.constant 0 : i32
      %dma_wait3A_279 = tpu.memref_slice %arg2[%dma_wait3A_277, %dma_wait3A_278] : memref<10000x128xf32, #tpu.memory_space<hbm>> -> memref<10000x128xf32, #tpu.memory_space<hbm>>
      tpu.wait_indirect_dma semaphore(%arg18 : memref<!tpu.dma_semaphore, #tpu.memory_space<semaphore_mem>>) src(%dma_wait3A_279 : memref<10000x128xf32, #tpu.memory_space<hbm>>) dst(%arg11 : memref<128x128xf32, #tpu.memory_space<vmem>>)
      %dma_start3A_280 = arith.constant 1 : i32
      %dma_start3A_281 = arith.constant 0 : i32
      %dma_start3A_282 = tpu.memref_slice %arg9[%dma_start3A_280, %dma_start3A_281] : memref<2x128xi32, #tpu.memory_space<vmem>> -> memref<1x128xi32, #tpu.memory_space<vmem>>
      %dma_start3A_283 = tpu.memref_squeeze %dma_start3A_282 : memref<1x128xi32, #tpu.memory_space<vmem>> -> memref<128xi32, #tpu.memory_space<vmem>>
      %dma_start3A_284 = arith.constant 0 : i32
      %dma_start3A_285 = arith.constant 0 : i32
      %dma_start3A_286 = tpu.memref_slice %arg12[%dma_start3A_284, %dma_start3A_285] : memref<10112x128xf32, #tpu.memory_space<vmem_shared>> -> memref<10112x128xf32, #tpu.memory_space<vmem_shared>>
      tpu.enqueue_indirect_dma source(%arg11 : memref<128x128xf32, #tpu.memory_space<vmem>>) target(%dma_start3A_286 : memref<10112x128xf32, #tpu.memory_space<vmem_shared>>) offsets(%dma_start3A_283 : memref<128xi32, #tpu.memory_space<vmem>>) semaphore(%arg20 : memref<!tpu.dma_semaphore, #tpu.memory_space<semaphore_mem>>) {add = true}
      %dma_wait3A_287 = arith.constant 0 : i32
      %dma_wait3A_288 = arith.constant 0 : i32
      %dma_wait3A_289 = tpu.memref_slice %arg4[%dma_wait3A_287, %dma_wait3A_288] : memref<10112x128xf32, #tpu.memory_space<hbm>> -> memref<128x128xf32, #tpu.memory_space<hbm>>
      %dma_wait3A_290 = arith.constant 0 : i32
      %dma_wait3A_291 = arith.constant 0 : i32
      %dma_wait3A_292 = tpu.memref_slice %arg4[%dma_wait3A_290, %dma_wait3A_291] : memref<10112x128xf32, #tpu.memory_space<hbm>> -> memref<128x128xf32, #tpu.memory_space<hbm>>
      tpu.wait_dma2 semaphore(%arg19 : memref<!tpu.dma_semaphore, #tpu.memory_space<semaphore_mem>>) src(%dma_wait3A_292 : memref<128x128xf32, #tpu.memory_space<hbm>>) dst(%arg10 : memref<128x128xf32, #tpu.memory_space<vmem>>)
      %dma_start3A_293 = arith.constant 0 : i32
      %dma_start3A_294 = arith.constant 0 : i32
      %dma_start3A_295 = tpu.memref_slice %arg6[%dma_start3A_293, %dma_start3A_294] : memref<2x128xi32, #tpu.memory_space<vmem>> -> memref<1x128xi32, #tpu.memory_space<vmem>>
      %dma_start3A_296 = tpu.memref_squeeze %dma_start3A_295 : memref<1x128xi32, #tpu.memory_space<vmem>> -> memref<128xi32, #tpu.memory_space<vmem>>
      %dma_start3A_297 = arith.constant 0 : i32
      %dma_start3A_298 = arith.constant 0 : i32
      %dma_start3A_299 = tpu.memref_slice %arg2[%dma_start3A_297, %dma_start3A_298] : memref<10000x128xf32, #tpu.memory_space<hbm>> -> memref<10000x128xf32, #tpu.memory_space<hbm>>
      tpu.enqueue_indirect_dma source(%dma_start3A_299 : memref<10000x128xf32, #tpu.memory_space<hbm>>) target(%arg10 : memref<128x128xf32, #tpu.memory_space<vmem>>) offsets(%dma_start3A_296 : memref<128xi32, #tpu.memory_space<vmem>>) semaphore(%arg17 : memref<!tpu.dma_semaphore, #tpu.memory_space<semaphore_mem>>)
      %add3A_300 = arith.constant 3 : i32
      %add3A_301 = arith.addi %mul3A_115, %add3A_300 : i32
      %add3A_302 = arith.constant 4 : i32
      %add3A_303 = arith.addi %add3A_301, %add3A_302 : i32
      %min3A_304 = arith.constant 79 : i32
      %min3A_305 = arith.minsi %add3A_303, %min3A_304 : i32
      %add3A_306 = arith.addi %mul3A_2, %min3A_305 : i32
      %dma_start3A_307 = arith.constant 0 : i32
      %dma_start3A_308 = arith.constant 0 : i32
      %dma_start3A_309 = tpu.memref_slice %arg3[%add3A_306, %dma_start3A_307, %dma_start3A_308] : memref<2560x2x128xi32, #tpu.memory_space<hbm>> -> memref<1x2x128xi32, #tpu.memory_space<hbm>>
      %dma_start3A_310 = tpu.memref_squeeze %dma_start3A_309 : memref<1x2x128xi32, #tpu.memory_space<hbm>> -> memref<2x128xi32, #tpu.memory_space<hbm>>
      %dma_start3A_311 = arith.constant 0 : i32
      %dma_start3A_312 = arith.constant 0 : i32
      %dma_start3A_313 = tpu.memref_slice %arg3[%add3A_306, %dma_start3A_311, %dma_start3A_312] : memref<2560x2x128xi32, #tpu.memory_space<hbm>> -> memref<1x2x128xi32, #tpu.memory_space<hbm>>
      %dma_start3A_314 = tpu.memref_squeeze %dma_start3A_313 : memref<1x2x128xi32, #tpu.memory_space<hbm>> -> memref<2x128xi32, #tpu.memory_space<hbm>>
      tpu.enqueue_dma source(%dma_start3A_314 : memref<2x128xi32, #tpu.memory_space<hbm>>) target(%arg9 : memref<2x128xi32, #tpu.memory_space<vmem>>) target_semaphore(%arg16 : memref<!tpu.dma_semaphore, #tpu.memory_space<semaphore_mem>>)
    }
    %scan3A_70 = arith.constant 20 : i32
    %dma_wait3A_71 = arith.constant 0 : i32
    %dma_wait3A_72 = arith.constant 0 : i32
    %dma_wait3A_73 = tpu.memref_slice %arg6[%dma_wait3A_71, %dma_wait3A_72] : memref<2x128xi32, #tpu.memory_space<vmem>> -> memref<1x128xi32, #tpu.memory_space<vmem>>
    %dma_wait3A_74 = tpu.memref_squeeze %dma_wait3A_73 : memref<1x128xi32, #tpu.memory_space<vmem>> -> memref<128xi32, #tpu.memory_space<vmem>>
    %dma_wait3A_75 = arith.constant 0 : i32
    %dma_wait3A_76 = arith.constant 0 : i32
    %dma_wait3A_77 = tpu.memref_slice %arg2[%dma_wait3A_75, %dma_wait3A_76] : memref<10000x128xf32, #tpu.memory_space<hbm>> -> memref<10000x128xf32, #tpu.memory_space<hbm>>
    tpu.wait_indirect_dma semaphore(%arg17 : memref<!tpu.dma_semaphore, #tpu.memory_space<semaphore_mem>>) src(%dma_wait3A_77 : memref<10000x128xf32, #tpu.memory_space<hbm>>) dst(%arg10 : memref<128x128xf32, #tpu.memory_space<vmem>>)
    %dma_wait3A_78 = arith.constant 0 : i32
    %dma_wait3A_79 = arith.constant 0 : i32
    %dma_wait3A_80 = tpu.memref_slice %arg4[%dma_wait3A_78, %dma_wait3A_79] : memref<10112x128xf32, #tpu.memory_space<hbm>> -> memref<128x128xf32, #tpu.memory_space<hbm>>
    %dma_wait3A_81 = arith.constant 0 : i32
    %dma_wait3A_82 = arith.constant 0 : i32
    %dma_wait3A_83 = tpu.memref_slice %arg4[%dma_wait3A_81, %dma_wait3A_82] : memref<10112x128xf32, #tpu.memory_space<hbm>> -> memref<128x128xf32, #tpu.memory_space<hbm>>
    tpu.wait_dma2 semaphore(%arg20 : memref<!tpu.dma_semaphore, #tpu.memory_space<semaphore_mem>>) src(%dma_wait3A_83 : memref<128x128xf32, #tpu.memory_space<hbm>>) dst(%arg11 : memref<128x128xf32, #tpu.memory_space<vmem>>)
    %dma_wait3A_84 = arith.constant 0 : i32
    %dma_wait3A_85 = arith.constant 0 : i32
    %dma_wait3A_86 = tpu.memref_slice %arg3[%mul3A_2, %dma_wait3A_84, %dma_wait3A_85] : memref<2560x2x128xi32, #tpu.memory_space<hbm>> -> memref<1x2x128xi32, #tpu.memory_space<hbm>>
    %dma_wait3A_87 = tpu.memref_squeeze %dma_wait3A_86 : memref<1x2x128xi32, #tpu.memory_space<hbm>> -> memref<2x128xi32, #tpu.memory_space<hbm>>
    %dma_wait3A_88 = arith.constant 0 : i32
    %dma_wait3A_89 = arith.constant 0 : i32
    %dma_wait3A_90 = tpu.memref_slice %arg3[%mul3A_2, %dma_wait3A_88, %dma_wait3A_89] : memref<2560x2x128xi32, #tpu.memory_space<hbm>> -> memref<1x2x128xi32, #tpu.memory_space<hbm>>
    %dma_wait3A_91 = tpu.memref_squeeze %dma_wait3A_90 : memref<1x2x128xi32, #tpu.memory_space<hbm>> -> memref<2x128xi32, #tpu.memory_space<hbm>>
    tpu.wait_dma2 semaphore(%arg14 : memref<!tpu.dma_semaphore, #tpu.memory_space<semaphore_mem>>) src(%dma_wait3A_91 : memref<2x128xi32, #tpu.memory_space<hbm>>) dst(%arg7 : memref<2x128xi32, #tpu.memory_space<vmem>>)
    %dma_wait3A_92 = arith.constant 0 : i32
    %dma_wait3A_93 = arith.constant 0 : i32
    %dma_wait3A_94 = tpu.memref_slice %arg3[%mul3A_2, %dma_wait3A_92, %dma_wait3A_93] : memref<2560x2x128xi32, #tpu.memory_space<hbm>> -> memref<1x2x128xi32, #tpu.memory_space<hbm>>
    %dma_wait3A_95 = tpu.memref_squeeze %dma_wait3A_94 : memref<1x2x128xi32, #tpu.memory_space<hbm>> -> memref<2x128xi32, #tpu.memory_space<hbm>>
    %dma_wait3A_96 = arith.constant 0 : i32
    %dma_wait3A_97 = arith.constant 0 : i32
    %dma_wait3A_98 = tpu.memref_slice %arg3[%mul3A_2, %dma_wait3A_96, %dma_wait3A_97] : memref<2560x2x128xi32, #tpu.memory_space<hbm>> -> memref<1x2x128xi32, #tpu.memory_space<hbm>>
    %dma_wait3A_99 = tpu.memref_squeeze %dma_wait3A_98 : memref<1x2x128xi32, #tpu.memory_space<hbm>> -> memref<2x128xi32, #tpu.memory_space<hbm>>
    tpu.wait_dma2 semaphore(%arg15 : memref<!tpu.dma_semaphore, #tpu.memory_space<semaphore_mem>>) src(%dma_wait3A_99 : memref<2x128xi32, #tpu.memory_space<hbm>>) dst(%arg8 : memref<2x128xi32, #tpu.memory_space<vmem>>)
    %dma_wait3A_100 = arith.constant 0 : i32
    %dma_wait3A_101 = arith.constant 0 : i32
    %dma_wait3A_102 = tpu.memref_slice %arg3[%mul3A_2, %dma_wait3A_100, %dma_wait3A_101] : memref<2560x2x128xi32, #tpu.memory_space<hbm>> -> memref<1x2x128xi32, #tpu.memory_space<hbm>>
    %dma_wait3A_103 = tpu.memref_squeeze %dma_wait3A_102 : memref<1x2x128xi32, #tpu.memory_space<hbm>> -> memref<2x128xi32, #tpu.memory_space<hbm>>
    %dma_wait3A_104 = arith.constant 0 : i32
    %dma_wait3A_105 = arith.constant 0 : i32
    %dma_wait3A_106 = tpu.memref_slice %arg3[%mul3A_2, %dma_wait3A_104, %dma_wait3A_105] : memref<2560x2x128xi32, #tpu.memory_space<hbm>> -> memref<1x2x128xi32, #tpu.memory_space<hbm>>
    %dma_wait3A_107 = tpu.memref_squeeze %dma_wait3A_106 : memref<1x2x128xi32, #tpu.memory_space<hbm>> -> memref<2x128xi32, #tpu.memory_space<hbm>>
    tpu.wait_dma2 semaphore(%arg16 : memref<!tpu.dma_semaphore, #tpu.memory_space<semaphore_mem>>) src(%dma_wait3A_107 : memref<2x128xi32, #tpu.memory_space<hbm>>) dst(%arg9 : memref<2x128xi32, #tpu.memory_space<vmem>>)
    %barrier3A_108 = arith.constant 0 : index
    tpu.barrier barrier_id(%barrier3A_108)
    %mul3A_109 = arith.constant 632 : i32
    %mul3A_110 = arith.muli %arg1, %mul3A_109 : i32
    %mul3A_111 = arith.constant 632 : i32
    %mul3A_112 = arith.muli %arg1, %mul3A_111 : i32
    "tpu.region"() ({
      %run_scoped3A = tpu.sem_alloc : memref<!tpu.dma_semaphore, #tpu.memory_space<semaphore_mem>>
      %dma_start3A_113 = arith.constant 0 : i32
      %dma_start3A_114 = tpu.memref_slice %arg5[%arg0, %mul3A_112, %dma_start3A_113] : memref<2x10112x128xf32, #tpu.memory_space<hbm>> -> memref<1x632x128xf32, #tpu.memory_space<hbm>>
      %dma_start3A_115 = tpu.memref_squeeze %dma_start3A_114 : memref<1x632x128xf32, #tpu.memory_space<hbm>> -> memref<632x128xf32, #tpu.memory_space<hbm>>
      %dma_start3A_116 = arith.constant 0 : i32
      %dma_start3A_117 = tpu.memref_slice %arg12[%mul3A_110, %dma_start3A_116] : memref<10112x128xf32, #tpu.memory_space<vmem_shared>> -> memref<632x128xf32, #tpu.memory_space<vmem_shared>>
      tpu.enqueue_dma source(%dma_start3A_117 : memref<632x128xf32, #tpu.memory_space<vmem_shared>>) target(%dma_start3A_115 : memref<632x128xf32, #tpu.memory_space<hbm>>) target_semaphore(%run_scoped3A : memref<!tpu.dma_semaphore, #tpu.memory_space<semaphore_mem>>)
      %dma_wait3A_118 = arith.constant 0 : i32
      %dma_wait3A_119 = tpu.memref_slice %arg5[%arg0, %mul3A_112, %dma_wait3A_118] : memref<2x10112x128xf32, #tpu.memory_space<hbm>> -> memref<1x632x128xf32, #tpu.memory_space<hbm>>
      %dma_wait3A_120 = tpu.memref_squeeze %dma_wait3A_119 : memref<1x632x128xf32, #tpu.memory_space<hbm>> -> memref<632x128xf32, #tpu.memory_space<hbm>>
      %dma_wait3A_121 = arith.constant 0 : i32
      %dma_wait3A_122 = tpu.memref_slice %arg12[%mul3A_110, %dma_wait3A_121] : memref<10112x128xf32, #tpu.memory_space<vmem_shared>> -> memref<632x128xf32, #tpu.memory_space<vmem_shared>>
      tpu.wait_dma2 semaphore(%run_scoped3A : memref<!tpu.dma_semaphore, #tpu.memory_space<semaphore_mem>>) src(%dma_wait3A_122 : memref<632x128xf32, #tpu.memory_space<vmem_shared>>) dst(%dma_wait3A_120 : memref<632x128xf32, #tpu.memory_space<hbm>>)
      tpu.yield
    }) : () -> ()
    return
  }
}

module attributes {stable_mosaic.version = 14 : i64} {
  func.func @_k1a_body(%arg0: i32, %arg1: memref<1000x128xf32, #tpu.memory_space<vmem>>, %arg2: memref<128x128xf32, #tpu.memory_space<vmem>>, %arg3: memref<1000x128xf32, #tpu.memory_space<vmem>>) attributes {dimension_semantics = [#tpu.dimension_semantics<arbitrary>], iteration_bounds = array<i64: 10>, scalar_prefetch = 0 : i64, scratch_operands = 0 : i64, tpu.core_type = #tpu.core_type<tc>, window_params = [{transform_indices = @transform_0, window_bounds = array<i64: 1000, 128>}, {pipeline_mode = #tpu.pipeline_mode<synchronous>, transform_indices = @transform_1, window_bounds = array<i64: 128, 128>}, {transform_indices = @transform_2, window_bounds = array<i64: 1000, 128>}]} {
    %get3A = arith.constant 0 : index
    %get3A_0 = arith.constant 0 : index
    %get3A_1 = vector.load %arg1[%get3A, %get3A_0] : memref<1000x128xf32, #tpu.memory_space<vmem>>, vector<1000x128xf32>
    %get3A_2 = arith.constant 0 : index
    %get3A_3 = arith.constant 0 : index
    %get3A_4 = vector.load %arg2[%get3A_2, %get3A_3] : memref<128x128xf32, #tpu.memory_space<vmem>>, vector<128x128xf32>
    %dot_general3A = arith.constant dense<0.000000e+00> : vector<1000x128xf32>
    %dot_general3A_5 = tpu.matmul %get3A_1, %get3A_4, %dot_general3A {dimension_numbers = #tpu.dot_dimension_numbers<[1], [0], [0], [1], [0, 0, 1, 1], [], []>, transpose_lhs_hint = false} : vector<1000x128xf32>, vector<128x128xf32>, vector<1000x128xf32> -> vector<1000x128xf32>
    %swap3A = arith.constant 0 : index
    %swap3A_6 = arith.constant 0 : index
    %swap3A_7 = vector.load %arg3[%swap3A, %swap3A_6] : memref<1000x128xf32, #tpu.memory_space<vmem>>, vector<1000x128xf32>
    tpu.vector_store %arg3[%swap3A, %swap3A_6], %dot_general3A_5 {strides = array<i32>} : memref<1000x128xf32, #tpu.memory_space<vmem>>, vector<1000x128xf32>,
    return
  }
  func.func @transform_0(%arg0: i32) -> (i32, i32) {
    %c0_i32 = arith.constant 0 : i32
    %c0_i32_0 = arith.constant 0 : i32
    return %arg0, %c0_i32 : i32, i32
  }
  func.func @transform_1(%arg0: i32) -> (i32, i32) {
    %c0_i32 = arith.constant 0 : i32
    %c0_i32_0 = arith.constant 0 : i32
    %c0_i32_1 = arith.constant 0 : i32
    return %c0_i32, %c0_i32_0 : i32, i32
  }
  func.func @transform_2(%arg0: i32) -> (i32, i32) {
    %c0_i32 = arith.constant 0 : i32
    %c0_i32_0 = arith.constant 0 : i32
    return %arg0, %c0_i32 : i32, i32
  }
}

module attributes {stable_mosaic.version = 14 : i64} {
  func.func @_k1b_body(%arg0: i32, %arg1: memref<1000x128xf32, #tpu.memory_space<vmem>>, %arg2: memref<1000x16xf32, #tpu.memory_space<vmem>>, %arg3: memref<1000x16xf32, #tpu.memory_space<vmem>>, %arg4: memref<1000x128xf32, #tpu.memory_space<vmem>>) attributes {dimension_semantics = [#tpu.dimension_semantics<arbitrary>], iteration_bounds = array<i64: 10>, scalar_prefetch = 0 : i64, scratch_operands = 0 : i64, tpu.core_type = #tpu.core_type<tc>, window_params = [{transform_indices = @transform_0, window_bounds = array<i64: 1000, 128>}, {transform_indices = @transform_1, window_bounds = array<i64: 1000, 16>}, {transform_indices = @transform_2, window_bounds = array<i64: 1000, 16>}, {transform_indices = @transform_3, window_bounds = array<i64: 1000, 128>}]} {
    %get3A = arith.constant 0 : index
    %get3A_0 = arith.constant 0 : index
    %get3A_1 = vector.load %arg2[%get3A, %get3A_0] : memref<1000x16xf32, #tpu.memory_space<vmem>>, vector<1000x16xf32>
    %get3A_2 = arith.constant 0 : index
    %get3A_3 = arith.constant 0 : index
    %get3A_4 = vector.load %arg3[%get3A_2, %get3A_3] : memref<1000x16xf32, #tpu.memory_space<vmem>>, vector<1000x16xf32>
    %slice3A = vector.extract_strided_slice %get3A_1 {offsets = [0, 0], sizes = [1000, 1], strides = [1, 1]} : vector<1000x16xf32> to vector<1000x1xf32>
    %slice3A_5 = vector.extract_strided_slice %get3A_4 {offsets = [0, 0], sizes = [1000, 1], strides = [1, 1]} : vector<1000x16xf32> to vector<1000x1xf32>
    %add3A = arith.addf %slice3A, %slice3A_5 : vector<1000x1xf32>
    %add3A_6 = arith.constant 1.000000e+00 : f32
    %add3A_7 = vector.broadcast %add3A_6 : f32 to vector<1000x1xf32>
    %add3A_8 = arith.addf %add3A, %add3A_7 : vector<1000x1xf32>
    %rsqrt3A = math.rsqrt %add3A_8 : vector<1000x1xf32>
    %get3A_9 = arith.constant 0 : index
    %get3A_10 = arith.constant 0 : index
    %get3A_11 = vector.load %arg1[%get3A_9, %get3A_10] : memref<1000x128xf32, #tpu.memory_space<vmem>>, vector<1000x128xf32>
    %mul3A = vector.broadcast %rsqrt3A : vector<1000x1xf32> to vector<1000x128xf32>
    %mul3A_12 = arith.mulf %get3A_11, %mul3A : vector<1000x128xf32>
    %swap3A = arith.constant 0 : index
    %swap3A_13 = arith.constant 0 : index
    %swap3A_14 = vector.load %arg4[%swap3A, %swap3A_13] : memref<1000x128xf32, #tpu.memory_space<vmem>>, vector<1000x128xf32>
    tpu.vector_store %arg4[%swap3A, %swap3A_13], %mul3A_12 {strides = array<i32>} : memref<1000x128xf32, #tpu.memory_space<vmem>>, vector<1000x128xf32>,
    return
  }
  func.func @transform_0(%arg0: i32) -> (i32, i32) {
    %c0_i32 = arith.constant 0 : i32
    %c0_i32_0 = arith.constant 0 : i32
    return %arg0, %c0_i32 : i32, i32
  }
  func.func @transform_1(%arg0: i32) -> (i32, i32) {
    %c0_i32 = arith.constant 0 : i32
    %c0_i32_0 = arith.constant 0 : i32
    return %arg0, %c0_i32 : i32, i32
  }
  func.func @transform_2(%arg0: i32) -> (i32, i32) {
    %c0_i32 = arith.constant 0 : i32
    %c0_i32_0 = arith.constant 0 : i32
    return %arg0, %c0_i32 : i32, i32
  }
  func.func @transform_3(%arg0: i32) -> (i32, i32) {
    %c0_i32 = arith.constant 0 : i32
    %c0_i32_0 = arith.constant 0 : i32
    return %arg0, %c0_i32 : i32, i32
  }
}

module attributes {stable_mosaic.version = 14 : i64} {
  func.func @_k3_body(%arg0: i32, %arg1: memref<1000x128xf32, #tpu.memory_space<vmem>>, %arg2: memref<1000x128xf32, #tpu.memory_space<vmem>>, %arg3: memref<1000x128xf32, #tpu.memory_space<vmem>>, %arg4: memref<1000x64xf32, #tpu.memory_space<vmem>>, %arg5: memref<1000x16xf32, #tpu.memory_space<vmem>>, %arg6: memref<1000x16xf32, #tpu.memory_space<vmem>>, %arg7: memref<1000x64xf32, #tpu.memory_space<vmem>>) attributes {dimension_semantics = [#tpu.dimension_semantics<arbitrary>], iteration_bounds = array<i64: 10>, scalar_prefetch = 0 : i64, scratch_operands = 0 : i64, tpu.core_type = #tpu.core_type<tc>, window_params = [{transform_indices = @transform_0, window_bounds = array<i64: 1000, 128>}, {transform_indices = @transform_1, window_bounds = array<i64: 1000, 128>}, {transform_indices = @transform_2, window_bounds = array<i64: 1000, 128>}, {transform_indices = @transform_3, window_bounds = array<i64: 1000, 64>}, {transform_indices = @transform_4, window_bounds = array<i64: 1000, 16>}, {transform_indices = @transform_5, window_bounds = array<i64: 1000, 16>}, {transform_indices = @transform_6, window_bounds = array<i64: 1000, 64>}]} {
    %get3A = arith.constant 0 : index
    %get3A_0 = arith.constant 0 : index
    %get3A_1 = vector.load %arg5[%get3A, %get3A_0] : memref<1000x16xf32, #tpu.memory_space<vmem>>, vector<1000x16xf32>
    %get3A_2 = arith.constant 0 : index
    %get3A_3 = arith.constant 0 : index
    %get3A_4 = vector.load %arg6[%get3A_2, %get3A_3] : memref<1000x16xf32, #tpu.memory_space<vmem>>, vector<1000x16xf32>
    %slice3A = vector.extract_strided_slice %get3A_1 {offsets = [0, 0], sizes = [1000, 1], strides = [1, 1]} : vector<1000x16xf32> to vector<1000x1xf32>
    %slice3A_5 = vector.extract_strided_slice %get3A_4 {offsets = [0, 0], sizes = [1000, 1], strides = [1, 1]} : vector<1000x16xf32> to vector<1000x1xf32>
    %add3A = arith.addf %slice3A, %slice3A_5 : vector<1000x1xf32>
    %add3A_6 = arith.constant 1.000000e+00 : f32
    %add3A_7 = vector.broadcast %add3A_6 : f32 to vector<1000x1xf32>
    %add3A_8 = arith.addf %add3A, %add3A_7 : vector<1000x1xf32>
    %rsqrt3A = math.rsqrt %add3A_8 : vector<1000x1xf32>
    %get3A_9 = arith.constant 0 : index
    %get3A_10 = arith.constant 0 : index
    %get3A_11 = vector.load %arg1[%get3A_9, %get3A_10] : memref<1000x128xf32, #tpu.memory_space<vmem>>, vector<1000x128xf32>
    %get3A_12 = arith.constant 0 : index
    %get3A_13 = arith.constant 0 : index
    %get3A_14 = vector.load %arg2[%get3A_12, %get3A_13] : memref<1000x128xf32, #tpu.memory_space<vmem>>, vector<1000x128xf32>
    %add3A_15 = arith.addf %get3A_11, %get3A_14 : vector<1000x128xf32>
    %get3A_16 = arith.constant 0 : index
    %get3A_17 = arith.constant 0 : index
    %get3A_18 = vector.load %arg3[%get3A_16, %get3A_17] : memref<1000x128xf32, #tpu.memory_space<vmem>>, vector<1000x128xf32>
    %add3A_19 = arith.addf %add3A_15, %get3A_18 : vector<1000x128xf32>
    %mul3A = vector.broadcast %rsqrt3A : vector<1000x1xf32> to vector<1000x128xf32>
    %mul3A_20 = arith.mulf %mul3A, %add3A_19 : vector<1000x128xf32>
    %slice3A_21 = vector.extract_strided_slice %mul3A_20 {offsets = [0, 0], sizes = [1000, 64], strides = [1, 1]} : vector<1000x128xf32> to vector<1000x64xf32>
    %slice3A_22 = vector.extract_strided_slice %mul3A_20 {offsets = [0, 64], sizes = [1000, 64], strides = [1, 1]} : vector<1000x128xf32> to vector<1000x64xf32>
    %custom_jvp_call3A = arith.constant 0.000000e+00 : f32
    %max3A = vector.broadcast %custom_jvp_call3A : f32 to vector<1000x64xf32>
    %max3A_23 = arith.maximumf %slice3A_22, %max3A : vector<1000x64xf32>
    %sub3A = vector.broadcast %custom_jvp_call3A : f32 to vector<1000x64xf32>
    %sub3A_24 = arith.subf %slice3A_22, %sub3A : vector<1000x64xf32>
    %ne3A = arith.cmpf one, %sub3A_24, %sub3A_24 : vector<1000x64xf32>
    %add3A_25 = vector.broadcast %custom_jvp_call3A : f32 to vector<1000x64xf32>
    %add3A_26 = arith.addf %slice3A_22, %add3A_25 : vector<1000x64xf32>
    %abs3A = math.absf %sub3A_24 : vector<1000x64xf32>
    %neg3A = arith.constant 0.000000e+00 : f32
    %neg3A_27 = vector.broadcast %neg3A : f32 to vector<1000x64xf32>
    %neg3A_28 = arith.subf %neg3A_27, %abs3A : vector<1000x64xf32>
    %exp3A = math.exp %neg3A_28 : vector<1000x64xf32>
    %log1p3A = math.log1p %exp3A : vector<1000x64xf32>
    %add3A_29 = arith.addf %max3A_23, %log1p3A : vector<1000x64xf32>
    %select_n3A = arith.select %ne3A, %add3A_26, %add3A_29 : vector<1000x64xi1>, vector<1000x64xf32>
    %add3A_30 = arith.constant 1.000000e-10 : f32
    %add3A_31 = vector.broadcast %add3A_30 : f32 to vector<1000x64xf32>
    %add3A_32 = arith.addf %select_n3A, %add3A_31 : vector<1000x64xf32>
    %get3A_33 = arith.constant 0 : index
    %get3A_34 = arith.constant 0 : index
    %get3A_35 = vector.load %arg4[%get3A_33, %get3A_34] : memref<1000x64xf32, #tpu.memory_space<vmem>>, vector<1000x64xf32>
    %mul3A_36 = arith.mulf %add3A_32, %get3A_35 : vector<1000x64xf32>
    %add3A_37 = arith.addf %slice3A_21, %mul3A_36 : vector<1000x64xf32>
    %max3A_38 = arith.constant 0.000000e+00 : f32
    %max3A_39 = vector.broadcast %max3A_38 : f32 to vector<1000x64xf32>
    %max3A_40 = arith.maximumf %add3A_37, %max3A_39 : vector<1000x64xf32>
    %mul3A_41 = vector.broadcast %rsqrt3A : vector<1000x1xf32> to vector<1000x64xf32>
    %mul3A_42 = arith.mulf %max3A_40, %mul3A_41 : vector<1000x64xf32>
    %swap3A = arith.constant 0 : index
    %swap3A_43 = arith.constant 0 : index
    %swap3A_44 = vector.load %arg7[%swap3A, %swap3A_43] : memref<1000x64xf32, #tpu.memory_space<vmem>>, vector<1000x64xf32>
    tpu.vector_store %arg7[%swap3A, %swap3A_43], %mul3A_42 {strides = array<i32>} : memref<1000x64xf32, #tpu.memory_space<vmem>>, vector<1000x64xf32>,
    return
  }
  func.func @transform_0(%arg0: i32) -> (i32, i32) {
    %c0_i32 = arith.constant 0 : i32
    %c0_i32_0 = arith.constant 0 : i32
    return %arg0, %c0_i32 : i32, i32
  }
  func.func @transform_1(%arg0: i32) -> (i32, i32) {
    %c0_i32 = arith.constant 0 : i32
    %c0_i32_0 = arith.constant 0 : i32
    return %arg0, %c0_i32 : i32, i32
  }
  func.func @transform_2(%arg0: i32) -> (i32, i32) {
    %c0_i32 = arith.constant 0 : i32
    %c0_i32_0 = arith.constant 0 : i32
    return %arg0, %c0_i32 : i32, i32
  }
  func.func @transform_3(%arg0: i32) -> (i32, i32) {
    %c0_i32 = arith.constant 0 : i32
    %c0_i32_0 = arith.constant 0 : i32
    return %arg0, %c0_i32 : i32, i32
  }
  func.func @transform_4(%arg0: i32) -> (i32, i32) {
    %c0_i32 = arith.constant 0 : i32
    %c0_i32_0 = arith.constant 0 : i32
    return %arg0, %c0_i32 : i32, i32
  }
  func.func @transform_5(%arg0: i32) -> (i32, i32) {
    %c0_i32 = arith.constant 0 : i32
    %c0_i32_0 = arith.constant 0 : i32
    return %arg0, %c0_i32 : i32, i32
  }
  func.func @transform_6(%arg0: i32) -> (i32, i32) {
    %c0_i32 = arith.constant 0 : i32
    %c0_i32_0 = arith.constant 0 : i32
    return %arg0, %c0_i32 : i32, i32
  }
}

module attributes {stable_mosaic.version = 14 : i64} {
  func.func @_k5_body(%arg0: i32, %arg1: memref<1000x64xf32, #tpu.memory_space<vmem>>, %arg2: memref<1000x64xf32, #tpu.memory_space<vmem>>, %arg3: memref<1000x64xf32, #tpu.memory_space<vmem>>, %arg4: memref<64x128xf32, #tpu.memory_space<vmem>>, %arg5: memref<1000x16xf32, #tpu.memory_space<vmem>>, %arg6: memref<1000x16xf32, #tpu.memory_space<vmem>>, %arg7: memref<1000x128xf32, #tpu.memory_space<vmem>>) attributes {dimension_semantics = [#tpu.dimension_semantics<arbitrary>], iteration_bounds = array<i64: 10>, scalar_prefetch = 0 : i64, scratch_operands = 0 : i64, tpu.core_type = #tpu.core_type<tc>, window_params = [{transform_indices = @transform_0, window_bounds = array<i64: 1000, 64>}, {transform_indices = @transform_1, window_bounds = array<i64: 1000, 64>}, {transform_indices = @transform_2, window_bounds = array<i64: 1000, 64>}, {pipeline_mode = #tpu.pipeline_mode<synchronous>, transform_indices = @transform_3, window_bounds = array<i64: 64, 128>}, {transform_indices = @transform_4, window_bounds = array<i64: 1000, 16>}, {transform_indices = @transform_5, window_bounds = array<i64: 1000, 16>}, {transform_indices = @transform_6, window_bounds = array<i64: 1000, 128>}]} {
    %get3A = arith.constant 0 : index
    %get3A_0 = arith.constant 0 : index
    %get3A_1 = vector.load %arg5[%get3A, %get3A_0] : memref<1000x16xf32, #tpu.memory_space<vmem>>, vector<1000x16xf32>
    %get3A_2 = arith.constant 0 : index
    %get3A_3 = arith.constant 0 : index
    %get3A_4 = vector.load %arg6[%get3A_2, %get3A_3] : memref<1000x16xf32, #tpu.memory_space<vmem>>, vector<1000x16xf32>
    %slice3A = vector.extract_strided_slice %get3A_1 {offsets = [0, 0], sizes = [1000, 1], strides = [1, 1]} : vector<1000x16xf32> to vector<1000x1xf32>
    %slice3A_5 = vector.extract_strided_slice %get3A_4 {offsets = [0, 0], sizes = [1000, 1], strides = [1, 1]} : vector<1000x16xf32> to vector<1000x1xf32>
    %add3A = arith.addf %slice3A, %slice3A_5 : vector<1000x1xf32>
    %add3A_6 = arith.constant 1.000000e+00 : f32
    %add3A_7 = vector.broadcast %add3A_6 : f32 to vector<1000x1xf32>
    %add3A_8 = arith.addf %add3A, %add3A_7 : vector<1000x1xf32>
    %rsqrt3A = math.rsqrt %add3A_8 : vector<1000x1xf32>
    %get3A_9 = arith.constant 0 : index
    %get3A_10 = arith.constant 0 : index
    %get3A_11 = vector.load %arg1[%get3A_9, %get3A_10] : memref<1000x64xf32, #tpu.memory_space<vmem>>, vector<1000x64xf32>
    %get3A_12 = arith.constant 0 : index
    %get3A_13 = arith.constant 0 : index
    %get3A_14 = vector.load %arg2[%get3A_12, %get3A_13] : memref<1000x64xf32, #tpu.memory_space<vmem>>, vector<1000x64xf32>
    %add3A_15 = arith.addf %get3A_11, %get3A_14 : vector<1000x64xf32>
    %get3A_16 = arith.constant 0 : index
    %get3A_17 = arith.constant 0 : index
    %get3A_18 = vector.load %arg3[%get3A_16, %get3A_17] : memref<1000x64xf32, #tpu.memory_space<vmem>>, vector<1000x64xf32>
    %add3A_19 = arith.addf %add3A_15, %get3A_18 : vector<1000x64xf32>
    %mul3A = vector.broadcast %rsqrt3A : vector<1000x1xf32> to vector<1000x64xf32>
    %mul3A_20 = arith.mulf %mul3A, %add3A_19 : vector<1000x64xf32>
    %get3A_21 = arith.constant 0 : index
    %get3A_22 = arith.constant 0 : index
    %get3A_23 = vector.load %arg4[%get3A_21, %get3A_22] : memref<64x128xf32, #tpu.memory_space<vmem>>, vector<64x128xf32>
    %dot_general3A = arith.constant dense<0.000000e+00> : vector<1000x128xf32>
    %dot_general3A_24 = tpu.matmul %mul3A_20, %get3A_23, %dot_general3A {dimension_numbers = #tpu.dot_dimension_numbers<[1], [0], [0], [1], [0, 0, 1, 1], [], []>, transpose_lhs_hint = false} : vector<1000x64xf32>, vector<64x128xf32>, vector<1000x128xf32> -> vector<1000x128xf32>
    %swap3A = arith.constant 0 : index
    %swap3A_25 = arith.constant 0 : index
    %swap3A_26 = vector.load %arg7[%swap3A, %swap3A_25] : memref<1000x128xf32, #tpu.memory_space<vmem>>, vector<1000x128xf32>
    tpu.vector_store %arg7[%swap3A, %swap3A_25], %dot_general3A_24 {strides = array<i32>} : memref<1000x128xf32, #tpu.memory_space<vmem>>, vector<1000x128xf32>,
    return
  }
  func.func @transform_0(%arg0: i32) -> (i32, i32) {
    %c0_i32 = arith.constant 0 : i32
    %c0_i32_0 = arith.constant 0 : i32
    return %arg0, %c0_i32 : i32, i32
  }
  func.func @transform_1(%arg0: i32) -> (i32, i32) {
    %c0_i32 = arith.constant 0 : i32
    %c0_i32_0 = arith.constant 0 : i32
    return %arg0, %c0_i32 : i32, i32
  }
  func.func @transform_2(%arg0: i32) -> (i32, i32) {
    %c0_i32 = arith.constant 0 : i32
    %c0_i32_0 = arith.constant 0 : i32
    return %arg0, %c0_i32 : i32, i32
  }
  func.func @transform_3(%arg0: i32) -> (i32, i32) {
    %c0_i32 = arith.constant 0 : i32
    %c0_i32_0 = arith.constant 0 : i32
    %c0_i32_1 = arith.constant 0 : i32
    return %c0_i32, %c0_i32_0 : i32, i32
  }
  func.func @transform_4(%arg0: i32) -> (i32, i32) {
    %c0_i32 = arith.constant 0 : i32
    %c0_i32_0 = arith.constant 0 : i32
    return %arg0, %c0_i32 : i32, i32
  }
  func.func @transform_5(%arg0: i32) -> (i32, i32) {
    %c0_i32 = arith.constant 0 : i32
    %c0_i32_0 = arith.constant 0 : i32
    return %arg0, %c0_i32 : i32, i32
  }
  func.func @transform_6(%arg0: i32) -> (i32, i32) {
    %c0_i32 = arith.constant 0 : i32
    %c0_i32_0 = arith.constant 0 : i32
    return %arg0, %c0_i32 : i32, i32
  }
}

</mosaic_0001>

<sc_bundles>
// kernel: kernel.12.cloned.1.call-start
scs
__scs_entry_jumppad:
0x0: {  	(pc) =	sbr.rel $0x88, $3  }
0x1: {  	(tag) =	ssettag $0x0;
	lr =	simm.s32 $0x1  }
0x2: {  	[smem:$0x3F9C] =	sst lr;
	_ =	strace $0xD0000000  }
0x3: {  	_ = 	snop  }
0x4: {  	_ = 	snop  }
0x5: {  	_ = 	snop  }
0x6: {  	_ = 	snop  }
0x7: {  	_ = 	snop  }
__scs_overlays_trampoline_lowered:
0x8: {  	[smem:$0x3FAB] =	sst s0  }
0x9: {  	[smem:$0x3FAC] =	sst s1  }
0xa: {  	[smem:$0x3FAD] =	sst s2  }
0xb: {  	[smem:$0x3FAE] =	sst s3  }
0xc: {  	[smem:$0x3FAF] =	sst s4  }
0xd: {  	[smem:$0x3FB0] =	sst s5  }
0xe: {  	[smem:$0x3FB1] =	sst s6  }
0xf: {  	[smem:$0x3FB2] =	sst s7  }
0x10: {  	[smem:$0x3FB3] =	sst s8  }
0x11: {  	[smem:$0x3FB4] =	sst s9;
	s0 =	simm.s32 @!p0 $0x0  }
0x12: {  	s1 =	sld [smem:$0x3F9A];
	s0 =	simm.s32 @p0 $0x1  }
0x13: {  	[smem:$0x3FB5] =	sst s0;
	s0 =	simm.s32 @!p1 $0x0  }
0x14: {  	s2 =	sld [smem:$0x3F99];
	s0 =	simm.s32 @p1 $0x1  }
0x15: {  	[smem:$0x3FB6] =	sst s0;
	s0 =	simm.s32 @!p2 $0x0  }
0x16: {  	s3 =	sld [smem:$0x3FDB];
	s0 =	simm.s32 @p2 $0x1  }
0x17: {  	s4 =	simm.s32 $0x1BF5;
	[smem:$0x3FB8] =	sst s0  }
0x18: {  	s0 =	sld [smem:$0x3F9B];
	_ =	swait.ge [sflag:s4], $0x0  }
0x19: {  	s7 =	sld [smem:$0x3F9C]  }
0x1a: {  	s8 =	sadd.s32 $0xFFFFE003, lr  }
0x1b: {  	s9 =	sadd.s32 $0xFFFFFEF7, lr;
	s5 =	simm.s32 $0xFFFFFFFF;
	p2 =	slt.u32 s8, $0xFFFFF086  }
0x1c: {  	p1 =	slt.u32 s9, $0xF7A;
	s5 =	simm.s32 @!p2 $0x0  }
0x1d: {  	s5 =	simm.s32 @p1 $0x1;
	p0 =	seq.s32 s7, s2  }
0x1e: {  	s7 =	smul.u32 @!p0 $0xF7A, s2;
	p2 =	seq.s32 @!p0 s5, $0x0  }
0x1f: {  	s9 =	smul.u32 $0xF7A, s1;
	s8 =	simm.s32 @!p0 $0x1BF5;
	p2 =	por !p2, p0  }
0x20: {  	[sflag:s8] =	ssyncset.s32 @!p0 $0xFFFFF086;
	s6 =	sadd.s32 @!p0 s3, s7;
	s7 =	simm.s32 @!p0 $0x108  }
0x21: {  	s3 =	sadd.s32 s3, s9;
	s6 =	sadd.s32 @!p0 $0x88, s6;
	s7 =	simm.s32 @p2 $0x1082  }
0x22: {  	[simem:s7], [sflag:s8] =	dma.local @!p0 [hbm:s6], $0xF7A  }
0x23: {  	s9 =	sor.u32 $0xD0000000, s2;
	s6 =	simm.s32 $0x108;
	_ =	swait.ge @!p0 [sflag:s8], $0x0  }
0x24: {  	s3 =	sadd.s32 $0x88, s3;
	s6 =	simm.s32 @!p1 $0x1082;
	[sflag:s4] =	ssyncset.s32 $0xFFFFF086  }
0x25: {  	[simem:s6], [sflag:s4] =	dma.local [hbm:s3], $0xF7A  }
0x26: {  	[smem:$0x3F9C] =	sst s1;
	(tag) =	ssettag s2;
	_ =	strace s9  }
0x27: {  	s1 =	sld [smem:$0x3FAC]  }
0x28: {  	s2 =	sld [smem:$0x3FAD]  }
0x29: {  	s4 =	sld [smem:$0x3FAF]  }
0x2a: {  	p0 =	seq.s32 s5, $0x0;
	s5 =	sld [smem:$0x3FB0]  }
0x2b: {  	s6 =	sld [smem:$0x3FB1]  }
0x2c: {  	s7 =	sld [smem:$0x3FB2]  }
0x2d: {  	s3 =	simm.s32 $0x108;
	s8 =	sld [smem:$0x3FB3]  }
0x2e: {  	s3 =	simm.s32 @!p0 $0x1082;
	s9 =	sld [smem:$0x3FB4]  }
0x2f: {  	lr =	sadd.s32 s0, s3;
	s0 =	sld [smem:$0x3FAB]  }
0x30: {  	s3 =	sld [smem:$0x3FAE]  }
0x31: {  	[smem:$0x3FB7] =	sst s10  }
0x32: {  	s10 =	sld [smem:$0x3FB5];
	_ =	sdelay $0x3  }
0x33: {  	p0 =	seq.s32 s10, $0x1;
	s10 =	sld [smem:$0x3FB7];
	_ =	sdelay $0x3  }
0x34: {  	[smem:$0x3FB7] =	sst s10  }
0x35: {  	s10 =	sld [smem:$0x3FB6];
	_ =	sdelay $0x3  }
0x36: {  	p1 =	seq.s32 s10, $0x1;
	s10 =	sld [smem:$0x3FB7];
	_ =	sdelay $0x3  }
0x37: {  	[smem:$0x3FB7] =	sst s10  }
0x38: {  	s10 =	sld [smem:$0x3FB8]  }
0x39: {  	_ = 	snop;
	(pc) =	sbr.ind lr, $3  }
0x3a: {  	_ = 	snop  }
0x3b: {  	_ = 	snop  }
0x3c: {  	p2 =	seq.s32 s10, $0x1;
	s10 =	sld [smem:$0x3FB7]  }
0x3d: {  	_ =	shalt  }
0x3e: {  	_ =	shalt  }
0x3f: {  	_ =	shalt  }
0x40: {  	_ =	shalt  }
0x41: {  	_ =	shalt  }
0x42: {  	_ =	shalt  }
0x43: {  	_ =	shalt  }
0x44: {  	_ =	shalt  }
0x45: {  	_ =	shalt  }
0x46: {  	_ =	shalt  }
0x47: {  	_ =	shalt  }
0x48: {  	_ =	shalt  }
0x49: {  	_ =	shalt  }
0x4a: {  	_ =	shalt  }
0x4b: {  	_ =	shalt  }
0x4c: {  	_ =	shalt  }
0x4d: {  	_ =	shalt  }
0x4e: {  	_ =	shalt  }
0x4f: {  	_ =	shalt  }
0x50: {  	_ =	shalt  }
0x51: {  	_ =	shalt  }
0x52: {  	_ =	shalt  }
0x53: {  	_ =	shalt  }
0x54: {  	_ =	shalt  }
0x55: {  	_ =	shalt  }
0x56: {  	_ =	shalt  }
0x57: {  	_ =	shalt  }
0x58: {  	_ =	shalt  }
0x59: {  	_ =	shalt  }
0x5a: {  	_ =	shalt  }
0x5b: {  	_ =	shalt  }
0x5c: {  	_ =	shalt  }
0x5d: {  	_ =	shalt  }
0x5e: {  	_ =	shalt  }
0x5f: {  	_ =	shalt  }
0x60: {  	_ =	shalt  }
0x61: {  	_ =	shalt  }
0x62: {  	_ =	shalt  }
0x63: {  	_ =	shalt  }
0x64: {  	_ =	shalt  }
0x65: {  	_ =	shalt  }
0x66: {  	_ =	shalt  }
0x67: {  	_ =	shalt  }
0x68: {  	_ =	shalt  }
0x69: {  	_ =	shalt  }
0x6a: {  	_ =	shalt  }
0x6b: {  	_ =	shalt  }
0x6c: {  	_ =	shalt  }
0x6d: {  	_ =	shalt  }
0x6e: {  	_ =	shalt  }
0x6f: {  	_ =	shalt  }
0x70: {  	_ =	shalt  }
0x71: {  	_ =	shalt  }
0x72: {  	_ =	shalt  }
0x73: {  	_ =	shalt  }
0x74: {  	_ =	shalt  }
0x75: {  	_ =	shalt  }
0x76: {  	_ =	shalt  }
0x77: {  	_ =	shalt  }
0x78: {  	_ =	shalt  }
0x79: {  	_ =	shalt  }
0x7a: {  	_ =	shalt  }
0x7b: {  	_ =	shalt  }
0x7c: {  	_ =	shalt  }
0x7d: {  	_ =	shalt  }
0x7e: {  	_ =	shalt  }
0x7f: {  	_ =	shalt  }
0x80: {  	_ =	shalt  }
0x81: {  	_ =	shalt  }
0x82: {  	_ =	shalt  }
0x83: {  	_ =	shalt  }
0x84: {  	_ =	shalt  }
0x85: {  	_ =	shalt  }
0x86: {  	_ =	shalt  }
0x87: {  	_ =	shalt  }
.Lfunc_end0:
.L_simem_size_0:
called_computation.1_lowered:
.L_overlay_start_0:
0x88: {  	s2 =	sld [smem:$0x3FD9]  }
0x89: {  	s3 =	sld [smem:$0x3FFE];
	_ =	sdelay $0x1  }
0x8a: {  	s1 =	srdreg.scid  }
0x8b: {  	s0 =	sand.u32 $0x1, s1  }
0x8c: {  	s17 =	sshll.u32 s0, $0xA;
	s2 =	sadd.s32 s3, s2  }
0x8d: {  	s2 =	sadd.s32 s2, s17  }
0x8e: {  	[smem:$0x3FC3] =	sst s2  }
0x8f: {  	_ = 	snop  }
0x90: {  	s2 =	sld [smem:$0x3FD0];
	(tm) =	ssettm $0x1  }
0x91: {  	s18 =	sld [smem:$0x3FFB];
	_ =	sdelay $0x3  }
0x92: {  	_ =	strace s18  }
0x93: {  	s3 =	sld [smem:$0x3FFC];
	_ =	sdelay $0x3  }
0x94: {  	_ =	strace s3  }
0x95: {  	s3 =	sld [smem:$0x3FFD];
	_ =	sdelay $0x3  }
0x96: {  	_ =	strace s3  }
0x97: {  	_ =	strace $0x8FFFFFFF  }
0x98: {  	s19 =	sld [smem:$0x3FDB];
	_ =	sdelay $0x1  }
0x99: {  	s4 =	simm.s32 $_scs_section_size  }
0x9a: {  	s5 =	simm.s32 $_size__tile_overlayer_lowered;
	s6 =	simm.s32 $_tile_overlayer_lowered  }
0x9b: {  	s22 =	simm.s32 $0x1BFF;
	s21 =	sshll.u32 s6, $0x1;
	s3 =	sadd.s32 s4, s19  }
0x9c: {  	s7 =	simm.s32 $0x0;
	s20 =	sshll.u32 s5, $0x1;
	s5 =	sadd.s32 s21, s3  }
0x9d: {  	[timem:s7], [sflag:s22] =	dma.local [hbm:s5], s20  }
0x9e: {  	_ =	swait.ge [sflag:s22], s20  }
0x9f: {  	s4 =	ssub.s32 $0x0, s20;
	[sflag:s22] =	ssyncset.done $0x0  }
0xa0: {  	[sflag:s22] =	ssyncadd.s32 s4;
	_ =	sdelay $0x1  }
0xa1: {  	s23 =	simm.s32 $0x1B8B  }
0xa2: {  	_ =	swait.ge [sflag:s23], $0x1  }
0xa3: {  	[sflag:s23] =	ssyncset.done $0x0  }
0xa4: {  	s25 =	simm.s32 $0x1B8E;
	s24 =	sld [smem:$0x3FFE];
	[sflag:s23] =	ssyncadd.s32 $0xFFFFFFFF  }
0xa5: {  	s26 =	simm.s32 $execute0_lowered;
	[smem:$0x3FD2] =	sst s25  }
0xa6: {  	s5 =	sshll.u32 s26, $0x1;
	_ =	strace $0x80000049;
	[dreg:$0x1] =	wrdreg $0xFFFFFFFF  }
0xa7: {  	s28 =	simm.s32 $_size_execute0_lowered;
	s3 =	sadd.s32 s3, s5;
	[dreg:$0x0] =	wrdreg $0x0  }
0xa8: {  	s5 =	sshll.u32 s28, $0x1;
	[dreg:$0x2] =	wrdreg s3  }
0xa9: {  	[dreg:$0x3] =	wrdreg s5  }
0xaa: {  	[dreg:$0x4] =	wrdreg $0xC0  }
0xab: {  	_ =	task [dreg:s7], $0x5FFFF  }
0xac: {  	[dreg:$0x1] =	wrdreg $0xFFFFFFFF  }
0xad: {  	[dreg:$0x0] =	wrdreg $0x60  }
0xae: {  	[dreg:$0x2] =	wrdreg s2  }
0xaf: {  	[dreg:$0x3] =	wrdreg s24  }
0xb0: {  	[dreg:$0x4] =	wrdreg $0x84000  }
0xb1: {  	[dreg:$0x5] =	wrdreg $0x9  }
0xb2: {  	_ =	task.clear_ibuf [dreg:s7], $0x6FFFF;
	_ =	strace $0x90000049  }
0xb3: {  	s29 =	simm.s32 $0x9;
	_ =	strace $0x8000004B  }
0xb4: {  	_ =	swait.ge [sflag:s29], $0x1  }
0xb5: {  	[sflag:s29] =	ssyncadd.s32 $0xFFFFFFFF  }
0xb6: {  	_ =	strace $0x9000004B  }
0xb7: {  	_ =	sfence  }
0xb8: {  	s30 =	sld [smem:$0x0];
	_ =	sdelay $0x2  }
0xb9: {  	s31 =	sshll.u32 s1, $0xD;
	s1 =	sshrl.u32 s1, $0x2  }
0xba: {  	s3 =	sand.u32 $0x4000, s31;
	s1 =	sadd.s32 s1, s30  }
0xbb: {  	s0 =	sor.u32 s3, s0;
	s1 =	sshll.u32 s1, $0x11  }
0xbc: {  	s0 =	sor.u32 s1, s0  }
0xbd: {  	s0 =	sadd.s32 $0x8F2B, s0  }
0xbe: {  	[sflag:s0] =	ssyncadd.remote.s32 $0x1  }
0xbf: {  	_ =	sfence.sel $0xFFFF  }
0xc0: {  	[dreg:$0x0] =	wrdreg $0xFFFFFFFF;
	(pc) =	sbr.abs _section_cstart, $3  }
0xc1: {  	[dreg:$0x1] =	wrdreg $0xFFFFFFFF  }
0xc2: {  	_ =	task.clear_ibuf [dreg:s7], $0x2FFFF;
	_ =	strace $0x9FFFFFFF  }
0xc3: {  	(tm) =	ssettm $0x7FFFFFFF  }
tec
execute0_lowered:
.L_overlay_start_1:
0x0: {  	(tag) =	ssettag $0x1  }
0x1: {  	s1 =	rddreg [dreg:$0x0]  }
0x2: {  	s0 =	rddreg [dreg:$0x1]  }
0x3: {  	s3 =	rddreg [dreg:$0x2]  }
0x4: {  	s2 =	srdreg.scid;
	s9 =	stileid.u32  }
0x5: {  	s4 =	simm.s32 $0x0;
	s16 =	simm.s32 $0x9;
	s24 =	simm.s32 $0x180  }
0x6: {  	s25 =	simm.s32 $0x280;
	s26 =	simm.s32 $0x380;
	s28 =	simm.s32 $0x3  }
0x7: {  	s29 =	simm.s32 $0x6;
	s30 =	simm.s32 $0x7;
	s31 =	simm.s32 $0x4  }
0x8: {  	s2 =	sand.u32 $0x1, s2;
	[smem:$0x7FF] =	sst s4;
	s10 =	sadd.s32 $0x74600, s0  }
0x9: {  	s6 =	smul.u32 $0x13C00, s9;
	_ =	strace $0x8000004A;
	[dreg:$0xb] =	wrdreg s10  }
0xa: {  	s5 =	sadd.s32 $0x12200, s0;
	s18 =	sshll.u32 s9, $0x6;
	[dreg:$0x8] =	wrdreg s24  }
0xb: {  	s7 =	smul.u32 $0x13C000, s2;
	s8 =	ssub.s32 $0x2, s2;
	[dreg:$0x9] =	wrdreg s25  }
0xc: {  	s2 =	sshll.u32 s2, $0x4;
	s24 =	simm.s32 $0x2;
	[dreg:$0xa] =	wrdreg s26  }
0xd: {  	s25 =	simm.s32 $0x5;
	s26 =	simm.s32 $0x8;
	s17 =	sshrl.u32 s8, $0x1  }
0xe: {  	s2 =	sor.u32 s9, s2;
	s15 =	sadd.s32 s6, s3;
	s7 =	sadd.s32 s6, s7  }
0xf: {  	s14 =	ssub.s32 s8, s17;
	s12 =	smul.u32 $0x50, s2;
	s6 =	sshrl.u32 s6, $0x3  }
0x10: {  	s2 =	smul.u32 $0xA00, s2;
	s8 =	sor.u32 $0x1C09, s18;
	s15 =	sshrl.u32 s15, $0x3  }
0x11: {  	s17 =	simm.s32 $0x100;
	s18 =	simm.s32 $0x200;
	s7 =	sshrl.u32 s7, $0x3  }
0x12: {  	s6 =	sadd.s32 s10, s6;
	s14 =	smax.u32 s14, $0x1;
	s0 =	sadd.s32 s7, s0  }
0x13: {  	[dreg:$0xc] =	wrdreg s6;
	s19 =	sor.u32 $0x4, s12;
	s9 =	sadd.s32 s5, s2  }
0x14: {  	s20 =	sor.u32 $0x5, s12;
	s22 =	sor.u32 $0x6, s12;
	[dreg:$0x4] =	wrdreg s19  }
0x15: {  	s23 =	sor.u32 $0x7, s12;
	s21 =	sadd.s32 $0x20, s9;
	[dreg:$0x5] =	wrdreg s20  }
0x16: {  	s11 =	sadd.s32 $0x40, s9;
	[dreg:$0x6] =	wrdreg s22;
	s12 =	sadd.s32 $0x60, s9  }
0x17: {  	[dreg:$0x7] =	wrdreg s23;
	s13 =	sadd.s32 $0x9BE00, s0;
	s19 =	simm.s32 $0x300  }
0x18: {  	s20 =	simm.s32 $0x1;
	s22 =	simm.s32 $0x400;
	s23 =	simm.s32 $0x4400  }
0x19: {  	s0 =	simm.s32 $0x0;
	[dreg:$0xd] =	wrdreg s21;
	s21 =	simm.s32 $0x80  }
.LBB2_1:
0x1a: {  	s2 =	rddreg [dreg:$0xc]  }
0x1b: {  	[spmem:s15], [sflag:s8] =	dma.local [hbm:s2], $0x2780  }
0x1c: {  	_ =	swait.ge [sflag:s16], $0x2780  }
0x1d: {  	[sflag:s16] =	ssyncset.done $0x0  }
0x1e: {  	[sflag:s16] =	ssyncadd.s32 $0xFFFFD880  }
0x1f: {  	[bflag:$0x0] =	sbarrier.arrive $0xFFFF  }
0x20: {  	[tilespmem:s4], [sflag:$0x1] =	stream.linear.gather [hbm4b:s9+s4], $0x100, $0x38;
	[tilespmem:$0x1C000] =	vst v63  }
0x21: {  	s6 =	rddreg [dreg:$0xd]  }
0x22: {  	[tilespmem:s17], [sflag:$0x2] =	stream.linear.gather [hbm4b:s6+s4], $0x100, $0x38;
	[tilespmem:$0x1C000] =	vst v63  }
0x23: {  	_ = 	snop  }
0x24: {  	[tilespmem:s18], [sflag:$0x3] =	stream.linear.gather [hbm4b:s11+s4], $0x100, $0x38;
	[tilespmem:$0x1C000] =	vst v63  }
0x25: {  	_ = 	snop  }
0x26: {  	[tilespmem:s19], [sflag:$0x4] =	stream.linear.gather [hbm4b:s12+s4], $0x100, $0x38;
	[tilespmem:$0x1C000] =	vst v63  }
0x27: {  	_ =	swait.ge [sflag:s20], $0x100  }
0x28: {  	[sflag:s20] =	ssyncset.done $0x0  }
0x29: {  	[sflag:s20] =	ssyncadd.s32 $0xFFFFFF00  }
0x2a: {  	[tilespmem:s22], [sflag:$0x5] =	stream.indirect.gather [hbm4b:s1+s21], $0x80, s4, s21, $0xb8;
	[tilespmem:$0x1C000] =	vst v63  }
0x2b: {  	s7 =	rddreg [dreg:$0xb]  }
0x2c: {  	[tilespmem:s23], [sflag:$0x8] =	stream.linear.gather [hbm4b:s7+s4], $0x4000, $0x38;
	[tilespmem:$0x1C000] =	vst v63  }
0x2d: {  	_ =	swait.ge [sflag:s24], $0x100  }
0x2e: {  	[sflag:s24] =	ssyncset.done $0x0  }
0x2f: {  	[sflag:s24] =	ssyncadd.s32 $0xFFFFFF00  }
0x30: {  	_ =	swait.ge [sflag:s25], $0x4000  }
0x31: {  	[sflag:s25] =	ssyncset.done $0x0  }
0x32: {  	[sflag:s25] =	ssyncadd.s32 $0xFFFFC000  }
0x33: {  	[spmem:s3] =	stream.indirect.scatter.add.f32 [tilespmem:s22], [sflag:$0x7], $0x80, s21, s21, $0xb8;
	[tilespmem:$0x1C000] =	vst v63  }
0x34: {  	_ =	swait.ge [sflag:s26], $0x4000  }
0x35: {  	s6 =	smin.u32 s4, $0x4B;
	s10 =	rddreg [dreg:$0x4]  }
0x36: {  	[sflag:s26] =	ssyncset.done $0x0;
	s2 =	sadd.s32 s6, s10  }
0x37: {  	[sflag:s26] =	ssyncadd.s32 $0xFFFFC000;
	s2 =	sshll.u32 s2, $0x5  }
0x38: {  	[tilespmem:s23], [sflag:$0x6] =	stream.indirect.gather [hbm4b:s1+s21], $0x80, s17, s21, $0xb8;
	[tilespmem:$0x1C000] =	vst v63  }
0x39: {  	s2 =	sadd.s32 s5, s2  }
0x3a: {  	[tilespmem:s4], [sflag:$0x1] =	stream.linear.gather [hbm4b:s2+s4], $0x100, $0x38;
	[tilespmem:$0x1C000] =	vst v63  }
0x3b: {  	_ =	swait.ge [sflag:s28], $0x100  }
0x3c: {  	[sflag:s28] =	ssyncset.done $0x0  }
0x3d: {  	[sflag:s28] =	ssyncadd.s32 $0xFFFFFF00  }
0x3e: {  	_ =	swait.ge [sflag:s29], $0x4000  }
0x3f: {  	[sflag:s29] =	ssyncset.done $0x0  }
0x40: {  	s6 =	rddreg [dreg:$0x8];
	[sflag:s29] =	ssyncadd.s32 $0xFFFFC000  }
0x41: {  	[spmem:s3] =	stream.indirect.scatter.add.f32 [tilespmem:s23], [sflag:$0x8], $0x80, s6, s21, $0xb8;
	[tilespmem:$0x1C000] =	vst v63  }
0x42: {  	_ =	swait.ge [sflag:s30], $0x4000  }
0x43: {  	s10 =	smin.u32 s4, $0x4A;
	[sflag:s30] =	ssyncset.done $0x0;
	s7 =	rddreg [dreg:$0x5]  }
0x44: {  	[sflag:s30] =	ssyncadd.s32 $0xFFFFC000;
	s2 =	sadd.s32 s10, s7  }
0x45: {  	[tilespmem:s22], [sflag:$0x5] =	stream.indirect.gather [hbm4b:s1+s21], $0x80, s18, s21, $0xb8;
	[tilespmem:$0x1C000] =	vst v63  }
0x46: {  	s2 =	sshll.u32 s2, $0x5  }
0x47: {  	s2 =	sadd.s32 s5, s2  }
0x48: {  	[tilespmem:s17], [sflag:$0x2] =	stream.linear.gather [hbm4b:s2+s4], $0x100, $0x38;
	[tilespmem:$0x1C000] =	vst v63  }
0x49: {  	_ =	swait.ge [sflag:s31], $0x100  }
0x4a: {  	[sflag:s31] =	ssyncset.done $0x0  }
0x4b: {  	[sflag:s31] =	ssyncadd.s32 $0xFFFFFF00  }
0x4c: {  	_ =	swait.ge [sflag:s25], $0x4000  }
0x4d: {  	[sflag:s25] =	ssyncset.done $0x0  }
0x4e: {  	s6 =	rddreg [dreg:$0x9];
	[sflag:s25] =	ssyncadd.s32 $0xFFFFC000  }
0x4f: {  	[spmem:s3] =	stream.indirect.scatter.add.f32 [tilespmem:s22], [sflag:$0x7], $0x80, s6, s21, $0xb8;
	[tilespmem:$0x1C000] =	vst v63  }
0x50: {  	_ =	swait.ge [sflag:s26], $0x4000  }
0x51: {  	s10 =	smin.u32 s4, $0x49;
	[sflag:s26] =	ssyncset.done $0x0;
	s7 =	rddreg [dreg:$0x6]  }
0x52: {  	[sflag:s26] =	ssyncadd.s32 $0xFFFFC000;
	s2 =	sadd.s32 s10, s7  }
0x53: {  	[tilespmem:s23], [sflag:$0x6] =	stream.indirect.gather [hbm4b:s1+s21], $0x80, s19, s21, $0xb8;
	[tilespmem:$0x1C000] =	vst v63  }
0x54: {  	s2 =	sshll.u32 s2, $0x5  }
0x55: {  	s2 =	sadd.s32 s5, s2  }
0x56: {  	[tilespmem:s18], [sflag:$0x3] =	stream.linear.gather [hbm4b:s2+s4], $0x100, $0x38;
	[tilespmem:$0x1C000] =	vst v63  }
0x57: {  	_ =	swait.ge [sflag:s20], $0x100  }
0x58: {  	[sflag:s20] =	ssyncset.done $0x0  }
0x59: {  	[sflag:s20] =	ssyncadd.s32 $0xFFFFFF00  }
0x5a: {  	_ =	swait.ge [sflag:s29], $0x4000  }
0x5b: {  	[sflag:s29] =	ssyncset.done $0x0  }
0x5c: {  	s6 =	rddreg [dreg:$0xa];
	[sflag:s29] =	ssyncadd.s32 $0xFFFFC000  }
0x5d: {  	[spmem:s3] =	stream.indirect.scatter.add.f32 [tilespmem:s23], [sflag:$0x8], $0x80, s6, s21, $0xb8;
	[tilespmem:$0x1C000] =	vst v63  }
0x5e: {  	_ =	swait.ge [sflag:s30], $0x4000  }
0x5f: {  	s10 =	smin.u32 s4, $0x48;
	[sflag:s30] =	ssyncset.done $0x0;
	s7 =	rddreg [dreg:$0x7]  }
0x60: {  	s2 =	simm.s32 $0x4;
	[sflag:s30] =	ssyncadd.s32 $0xFFFFC000;
	s6 =	sadd.s32 s10, s7  }
0x61: {  	[tilespmem:s22], [sflag:$0x5] =	stream.indirect.gather [hbm4b:s1+s21], $0x80, s4, s21, $0xb8;
	[tilespmem:$0x1C000] =	vst v63  }
.LBB2_2:
0x62: {  	s7 =	sshll.u32 s6, $0x5  }
0x63: {  	s7 =	sadd.s32 s5, s7  }
0x64: {  	[tilespmem:s19], [sflag:$0x4] =	stream.linear.gather [hbm4b:s7+s4], $0x100, $0x38;
	[tilespmem:$0x1C000] =	vst v63  }
0x65: {  	_ =	swait.ge [sflag:s24], $0x100  }
0x66: {  	[sflag:s24] =	ssyncset.done $0x0  }
0x67: {  	[sflag:s24] =	ssyncadd.s32 $0xFFFFFF00  }
0x68: {  	_ =	swait.ge [sflag:s25], $0x4000  }
0x69: {  	[sflag:s25] =	ssyncset.done $0x0  }
0x6a: {  	[sflag:s25] =	ssyncadd.s32 $0xFFFFC000  }
0x6b: {  	[spmem:s3] =	stream.indirect.scatter.add.f32 [tilespmem:s22], [sflag:$0x7], $0x80, s21, s21, $0xb8;
	[tilespmem:$0x1C000] =	vst v63  }
0x6c: {  	s6 =	smov.u32 s2;
	_ =	swait.ge [sflag:s26], $0x4000  }
0x6d: {  	s10 =	smin.u32 s6, $0x4B;
	s7 =	rddreg [dreg:$0x4]  }
0x6e: {  	[sflag:s26] =	ssyncset.done $0x0;
	s7 =	sadd.s32 s10, s7  }
0x6f: {  	[sflag:s26] =	ssyncadd.s32 $0xFFFFC000;
	s7 =	sshll.u32 s7, $0x5  }
0x70: {  	[tilespmem:s23], [sflag:$0x6] =	stream.indirect.gather [hbm4b:s1+s21], $0x80, s17, s21, $0xb8;
	[tilespmem:$0x1C000] =	vst v63  }
0x71: {  	s7 =	sadd.s32 s5, s7  }
0x72: {  	[tilespmem:s4], [sflag:$0x1] =	stream.linear.gather [hbm4b:s7+s4], $0x100, $0x38;
	[tilespmem:$0x1C000] =	vst v63  }
0x73: {  	_ =	swait.ge [sflag:s28], $0x100  }
0x74: {  	[sflag:s28] =	ssyncset.done $0x0  }
0x75: {  	[sflag:s28] =	ssyncadd.s32 $0xFFFFFF00  }
0x76: {  	_ =	swait.ge [sflag:s29], $0x4000  }
0x77: {  	[sflag:s29] =	ssyncset.done $0x0  }
0x78: {  	s10 =	rddreg [dreg:$0x8];
	[sflag:s29] =	ssyncadd.s32 $0xFFFFC000  }
0x79: {  	[spmem:s3] =	stream.indirect.scatter.add.f32 [tilespmem:s23], [sflag:$0x8], $0x80, s10, s21, $0xb8;
	[tilespmem:$0x1C000] =	vst v63  }
0x7a: {  	_ =	swait.ge [sflag:s30], $0x4000  }
0x7b: {  	s7 =	smin.u32 s6, $0x4A;
	[sflag:s30] =	ssyncset.done $0x0;
	s10 =	rddreg [dreg:$0x5]  }
0x7c: {  	[sflag:s30] =	ssyncadd.s32 $0xFFFFC000;
	s7 =	sadd.s32 s7, s10  }
0x7d: {  	[tilespmem:s22], [sflag:$0x5] =	stream.indirect.gather [hbm4b:s1+s21], $0x80, s18, s21, $0xb8;
	[tilespmem:$0x1C000] =	vst v63  }
0x7e: {  	s7 =	sshll.u32 s7, $0x5  }
0x7f: {  	s7 =	sadd.s32 s5, s7  }
0x80: {  	[tilespmem:s17], [sflag:$0x2] =	stream.linear.gather [hbm4b:s7+s4], $0x100, $0x38;
	[tilespmem:$0x1C000] =	vst v63  }
0x81: {  	_ =	swait.ge [sflag:s31], $0x100  }
0x82: {  	[sflag:s31] =	ssyncset.done $0x0  }
0x83: {  	[sflag:s31] =	ssyncadd.s32 $0xFFFFFF00  }
0x84: {  	_ =	swait.ge [sflag:s25], $0x4000  }
0x85: {  	[sflag:s25] =	ssyncset.done $0x0  }
0x86: {  	s10 =	rddreg [dreg:$0x9];
	[sflag:s25] =	ssyncadd.s32 $0xFFFFC000  }
0x87: {  	[spmem:s3] =	stream.indirect.scatter.add.f32 [tilespmem:s22], [sflag:$0x7], $0x80, s10, s21, $0xb8;
	[tilespmem:$0x1C000] =	vst v63  }
0x88: {  	_ =	swait.ge [sflag:s26], $0x4000  }
0x89: {  	s7 =	smin.u32 s6, $0x49;
	[sflag:s26] =	ssyncset.done $0x0;
	s10 =	rddreg [dreg:$0x6]  }
0x8a: {  	[sflag:s26] =	ssyncadd.s32 $0xFFFFC000;
	s7 =	sadd.s32 s7, s10  }
0x8b: {  	[tilespmem:s23], [sflag:$0x6] =	stream.indirect.gather [hbm4b:s1+s21], $0x80, s19, s21, $0xb8;
	[tilespmem:$0x1C000] =	vst v63  }
0x8c: {  	s7 =	sshll.u32 s7, $0x5  }
0x8d: {  	s7 =	sadd.s32 s5, s7  }
0x8e: {  	[tilespmem:s18], [sflag:$0x3] =	stream.linear.gather [hbm4b:s7+s4], $0x100, $0x38;
	[tilespmem:$0x1C000] =	vst v63  }
0x8f: {  	_ =	swait.ge [sflag:s20], $0x100  }
0x90: {  	[sflag:s20] =	ssyncset.done $0x0  }
0x91: {  	[sflag:s20] =	ssyncadd.s32 $0xFFFFFF00  }
0x92: {  	_ =	swait.ge [sflag:s29], $0x4000  }
0x93: {  	[sflag:s29] =	ssyncset.done $0x0  }
0x94: {  	p0 =	sne.s32 s2, $0x4C;
	s10 =	rddreg [dreg:$0xa];
	[sflag:s29] =	ssyncadd.s32 $0xFFFFC000  }
0x95: {  	[spmem:s3] =	stream.indirect.scatter.add.f32 [tilespmem:s23], [sflag:$0x8], $0x80, s10, s21, $0xb8;
	[tilespmem:$0x1C000] =	vst v63  }
.Ltmp0:
0x96: {  	_ = 	snop;
	(pc) =	sbr.rel @p0 .LBB2_2-.Ltmp0, $4  }
0x97: {  	_ =	swait.ge [sflag:s30], $0x4000  }
0x98: {  	s6 =	smin.u32 s6, $0x48;
	[sflag:s30] =	ssyncset.done $0x0;
	s10 =	rddreg [dreg:$0x7]  }
0x99: {  	s2 =	sadd.s32 $0x4, s2;
	[sflag:s30] =	ssyncadd.s32 $0xFFFFC000;
	s6 =	sadd.s32 s6, s10  }
0x9a: {  	[tilespmem:s22], [sflag:$0x5] =	stream.indirect.gather [hbm4b:s1+s21], $0x80, s4, s21, $0xb8;
	[tilespmem:$0x1C000] =	vst v63  }
0x9b: {  	s2 =	sshll.u32 s6, $0x5  }
0x9c: {  	s2 =	sadd.s32 s5, s2  }
0x9d: {  	[tilespmem:s19], [sflag:$0x4] =	stream.linear.gather [hbm4b:s2+s4], $0x100, $0x38;
	[tilespmem:$0x1C000] =	vst v63  }
0x9e: {  	_ =	swait.ge [sflag:s25], $0x4000  }
0x9f: {  	[sflag:s25] =	ssyncset.done $0x0  }
0xa0: {  	[sflag:s25] =	ssyncadd.s32 $0xFFFFC000  }
0xa1: {  	_ =	swait.ge [sflag:s26], $0x4000  }
0xa2: {  	[sflag:s26] =	ssyncset.done $0x0  }
0xa3: {  	[sflag:s26] =	ssyncadd.s32 $0xFFFFC000  }
0xa4: {  	_ =	swait.ge [sflag:s24], $0x100  }
0xa5: {  	[sflag:s24] =	ssyncset.done $0x0  }
0xa6: {  	[sflag:s24] =	ssyncadd.s32 $0xFFFFFF00  }
0xa7: {  	_ =	swait.ge [sflag:s28], $0x100  }
0xa8: {  	[sflag:s28] =	ssyncset.done $0x0  }
0xa9: {  	[sflag:s28] =	ssyncadd.s32 $0xFFFFFF00  }
0xaa: {  	_ =	swait.ge [sflag:s31], $0x100  }
0xab: {  	s0 =	sadd.s32 $0x1, s0;
	[sflag:s31] =	ssyncset.done $0x0  }
0xac: {  	p0 =	sne.s32 s0, s14;
	[sflag:s31] =	ssyncadd.s32 $0xFFFFFF00  }
.Ltmp1:
0xad: {  	[bflag:$0x0] =	sbarrier.arrive $0xFFFF;
	(pc) =	sbr.rel @p0 .LBB2_1-.Ltmp1, $4  }
0xae: {  	[hbm:s13], [sflag:s8] =	dma.local [spmem:s15], $0x2780  }
0xaf: {  	_ =	swait.ge [sflag:s16], $0x2780  }
0xb0: {  	[sflag:s16] =	ssyncset.done $0x0  }
0xb1: {  	[sflag:s16] =	ssyncadd.s32 $0xFFFFD880  }
0xb2: {  	_ =	sfence.sel $0x180000  }
0xb3: {  	[bflag:$0x0] =	sbarrier.arrive $0xFFFF  }
0xb4: {  	_ =	strace $0x9000004A  }
0xb5: {  	s0 =	stileid.u32;
	[bflag:$0x2] =	sbarrier.arrive $0xFFFF  }
0xb6: {  	p0 =	sne.s32 s0, $0x0;
	s0 =	rddreg [dreg:$0x3]  }
0xb7: {  	s0 =	sadd.s32 @!p0 $0x100000, s0  }
0xb8: {  	[sflag:s0] =	ssyncadd.tile.s32 @!p0 $0x1;
	_ =	shalt  }
.Lfunc_end2:
_tile_overlayer_lowered:
.L_overlay_start_2:
0xb9: {  	(tag) =	ssettag $0x2  }
0xba: {  	s0 =	rddreg [dreg:$0x0];
	s2 =	stileid.u32  }
0xbb: {  	s1 =	rddreg [dreg:$0x1];
	p0 =	sne.s32 s2, $0x0  }
0xbc: {  	s3 =	rddreg [dreg:$0x2];
	[bflag:$0x3] =	sbarrier.arrive $0xFFFF;
	s2 =	simm.s32 @!p0 $0x1C09  }
0xbd: {  	[timem:s3], [sflag:s2] =	dma.local @!p0 [hbm:s0], s1  }
0xbe: {  	s0 =	simm.s32 @!p0 $0x9  }
0xbf: {  	_ =	swait.ge @!p0 [sflag:s0], s1  }
0xc0: {  	s1 =	ssub.s32 @!p0 $0x0, s1;
	[sflag:s0] =	ssyncset.done @!p0 $0x0  }
0xc1: {  	[sflag:s0] =	ssyncadd.s32 @!p0 s1  }
0xc2: {  	[bflag:$0x3] =	sbarrier.arrive $0xFFFF  }
0xc3: {  	_ =	shalt  }

// kernel: kernel.15.cloned.1.call-start
scs
__scs_entry_jumppad:
0x0: {  	(pc) =	sbr.rel $0x88, $3  }
0x1: {  	(tag) =	ssettag $0x0;
	lr =	simm.s32 $0x1  }
0x2: {  	[smem:$0x3F9C] =	sst lr;
	_ =	strace $0xD0000000  }
0x3: {  	_ = 	snop  }
0x4: {  	_ = 	snop  }
0x5: {  	_ = 	snop  }
0x6: {  	_ = 	snop  }
0x7: {  	_ = 	snop  }
__scs_overlays_trampoline_lowered:
0x8: {  	[smem:$0x3FAB] =	sst s0  }
0x9: {  	[smem:$0x3FAC] =	sst s1  }
0xa: {  	[smem:$0x3FAD] =	sst s2  }
0xb: {  	[smem:$0x3FAE] =	sst s3  }
0xc: {  	[smem:$0x3FAF] =	sst s4  }
0xd: {  	[smem:$0x3FB0] =	sst s5  }
0xe: {  	[smem:$0x3FB1] =	sst s6  }
0xf: {  	[smem:$0x3FB2] =	sst s7  }
0x10: {  	[smem:$0x3FB3] =	sst s8  }
0x11: {  	[smem:$0x3FB4] =	sst s9;
	s0 =	simm.s32 @!p0 $0x0  }
0x12: {  	s1 =	sld [smem:$0x3F9A];
	s0 =	simm.s32 @p0 $0x1  }
0x13: {  	[smem:$0x3FB5] =	sst s0;
	s0 =	simm.s32 @!p1 $0x0  }
0x14: {  	s2 =	sld [smem:$0x3F99];
	s0 =	simm.s32 @p1 $0x1  }
0x15: {  	[smem:$0x3FB6] =	sst s0;
	s0 =	simm.s32 @!p2 $0x0  }
0x16: {  	s3 =	sld [smem:$0x3FDB];
	s0 =	simm.s32 @p2 $0x1  }
0x17: {  	s4 =	simm.s32 $0x1BF5;
	[smem:$0x3FB8] =	sst s0  }
0x18: {  	s0 =	sld [smem:$0x3F9B];
	_ =	swait.ge [sflag:s4], $0x0  }
0x19: {  	s7 =	sld [smem:$0x3F9C]  }
0x1a: {  	s8 =	sadd.s32 $0xFFFFE003, lr  }
0x1b: {  	s9 =	sadd.s32 $0xFFFFFEF7, lr;
	s5 =	simm.s32 $0xFFFFFFFF;
	p2 =	slt.u32 s8, $0xFFFFF086  }
0x1c: {  	p1 =	slt.u32 s9, $0xF7A;
	s5 =	simm.s32 @!p2 $0x0  }
0x1d: {  	s5 =	simm.s32 @p1 $0x1;
	p0 =	seq.s32 s7, s2  }
0x1e: {  	s7 =	smul.u32 @!p0 $0xF7A, s2;
	p2 =	seq.s32 @!p0 s5, $0x0  }
0x1f: {  	s9 =	smul.u32 $0xF7A, s1;
	s8 =	simm.s32 @!p0 $0x1BF5;
	p2 =	por !p2, p0  }
0x20: {  	[sflag:s8] =	ssyncset.s32 @!p0 $0xFFFFF086;
	s6 =	sadd.s32 @!p0 s3, s7;
	s7 =	simm.s32 @!p0 $0x108  }
0x21: {  	s3 =	sadd.s32 s3, s9;
	s6 =	sadd.s32 @!p0 $0x88, s6;
	s7 =	simm.s32 @p2 $0x1082  }
0x22: {  	[simem:s7], [sflag:s8] =	dma.local @!p0 [hbm:s6], $0xF7A  }
0x23: {  	s9 =	sor.u32 $0xD0000000, s2;
	s6 =	simm.s32 $0x108;
	_ =	swait.ge @!p0 [sflag:s8], $0x0  }
0x24: {  	s3 =	sadd.s32 $0x88, s3;
	s6 =	simm.s32 @!p1 $0x1082;
	[sflag:s4] =	ssyncset.s32 $0xFFFFF086  }
0x25: {  	[simem:s6], [sflag:s4] =	dma.local [hbm:s3], $0xF7A  }
0x26: {  	[smem:$0x3F9C] =	sst s1;
	(tag) =	ssettag s2;
	_ =	strace s9  }
0x27: {  	s1 =	sld [smem:$0x3FAC]  }
0x28: {  	s2 =	sld [smem:$0x3FAD]  }
0x29: {  	s4 =	sld [smem:$0x3FAF]  }
0x2a: {  	p0 =	seq.s32 s5, $0x0;
	s5 =	sld [smem:$0x3FB0]  }
0x2b: {  	s6 =	sld [smem:$0x3FB1]  }
0x2c: {  	s7 =	sld [smem:$0x3FB2]  }
0x2d: {  	s3 =	simm.s32 $0x108;
	s8 =	sld [smem:$0x3FB3]  }
0x2e: {  	s3 =	simm.s32 @!p0 $0x1082;
	s9 =	sld [smem:$0x3FB4]  }
0x2f: {  	lr =	sadd.s32 s0, s3;
	s0 =	sld [smem:$0x3FAB]  }
0x30: {  	s3 =	sld [smem:$0x3FAE]  }
0x31: {  	[smem:$0x3FB7] =	sst s10  }
0x32: {  	s10 =	sld [smem:$0x3FB5];
	_ =	sdelay $0x3  }
0x33: {  	p0 =	seq.s32 s10, $0x1;
	s10 =	sld [smem:$0x3FB7];
	_ =	sdelay $0x3  }
0x34: {  	[smem:$0x3FB7] =	sst s10  }
0x35: {  	s10 =	sld [smem:$0x3FB6];
	_ =	sdelay $0x3  }
0x36: {  	p1 =	seq.s32 s10, $0x1;
	s10 =	sld [smem:$0x3FB7];
	_ =	sdelay $0x3  }
0x37: {  	[smem:$0x3FB7] =	sst s10  }
0x38: {  	s10 =	sld [smem:$0x3FB8]  }
0x39: {  	_ = 	snop;
	(pc) =	sbr.ind lr, $3  }
0x3a: {  	_ = 	snop  }
0x3b: {  	_ = 	snop  }
0x3c: {  	p2 =	seq.s32 s10, $0x1;
	s10 =	sld [smem:$0x3FB7]  }
0x3d: {  	_ =	shalt  }
0x3e: {  	_ =	shalt  }
0x3f: {  	_ =	shalt  }
0x40: {  	_ =	shalt  }
0x41: {  	_ =	shalt  }
0x42: {  	_ =	shalt  }
0x43: {  	_ =	shalt  }
0x44: {  	_ =	shalt  }
0x45: {  	_ =	shalt  }
0x46: {  	_ =	shalt  }
0x47: {  	_ =	shalt  }
0x48: {  	_ =	shalt  }
0x49: {  	_ =	shalt  }
0x4a: {  	_ =	shalt  }
0x4b: {  	_ =	shalt  }
0x4c: {  	_ =	shalt  }
0x4d: {  	_ =	shalt  }
0x4e: {  	_ =	shalt  }
0x4f: {  	_ =	shalt  }
0x50: {  	_ =	shalt  }
0x51: {  	_ =	shalt  }
0x52: {  	_ =	shalt  }
0x53: {  	_ =	shalt  }
0x54: {  	_ =	shalt  }
0x55: {  	_ =	shalt  }
0x56: {  	_ =	shalt  }
0x57: {  	_ =	shalt  }
0x58: {  	_ =	shalt  }
0x59: {  	_ =	shalt  }
0x5a: {  	_ =	shalt  }
0x5b: {  	_ =	shalt  }
0x5c: {  	_ =	shalt  }
0x5d: {  	_ =	shalt  }
0x5e: {  	_ =	shalt  }
0x5f: {  	_ =	shalt  }
0x60: {  	_ =	shalt  }
0x61: {  	_ =	shalt  }
0x62: {  	_ =	shalt  }
0x63: {  	_ =	shalt  }
0x64: {  	_ =	shalt  }
0x65: {  	_ =	shalt  }
0x66: {  	_ =	shalt  }
0x67: {  	_ =	shalt  }
0x68: {  	_ =	shalt  }
0x69: {  	_ =	shalt  }
0x6a: {  	_ =	shalt  }
0x6b: {  	_ =	shalt  }
0x6c: {  	_ =	shalt  }
0x6d: {  	_ =	shalt  }
0x6e: {  	_ =	shalt  }
0x6f: {  	_ =	shalt  }
0x70: {  	_ =	shalt  }
0x71: {  	_ =	shalt  }
0x72: {  	_ =	shalt  }
0x73: {  	_ =	shalt  }
0x74: {  	_ =	shalt  }
0x75: {  	_ =	shalt  }
0x76: {  	_ =	shalt  }
0x77: {  	_ =	shalt  }
0x78: {  	_ =	shalt  }
0x79: {  	_ =	shalt  }
0x7a: {  	_ =	shalt  }
0x7b: {  	_ =	shalt  }
0x7c: {  	_ =	shalt  }
0x7d: {  	_ =	shalt  }
0x7e: {  	_ =	shalt  }
0x7f: {  	_ =	shalt  }
0x80: {  	_ =	shalt  }
0x81: {  	_ =	shalt  }
0x82: {  	_ =	shalt  }
0x83: {  	_ =	shalt  }
0x84: {  	_ =	shalt  }
0x85: {  	_ =	shalt  }
0x86: {  	_ =	shalt  }
0x87: {  	_ =	shalt  }
.Lfunc_end0:
.L_simem_size_0:
called_computation.2_lowered:
.L_overlay_start_0:
0x88: {  	s2 =	sld [smem:$0x3FD9]  }
0x89: {  	s3 =	sld [smem:$0x3FFE];
	_ =	sdelay $0x1  }
0x8a: {  	s1 =	srdreg.scid  }
0x8b: {  	s0 =	sand.u32 $0x1, s1  }
0x8c: {  	s17 =	sshll.u32 s0, $0xA;
	s2 =	sadd.s32 s3, s2  }
0x8d: {  	s2 =	sadd.s32 s2, s17  }
0x8e: {  	[smem:$0x3FC3] =	sst s2  }
0x8f: {  	_ = 	snop  }
0x90: {  	s2 =	sld [smem:$0x3FD0];
	(tm) =	ssettm $0x1  }
0x91: {  	s18 =	sld [smem:$0x3FFB];
	_ =	sdelay $0x3  }
0x92: {  	_ =	strace s18  }
0x93: {  	s3 =	sld [smem:$0x3FFC];
	_ =	sdelay $0x3  }
0x94: {  	_ =	strace s3  }
0x95: {  	s3 =	sld [smem:$0x3FFD];
	_ =	sdelay $0x3  }
0x96: {  	_ =	strace s3  }
0x97: {  	_ =	strace $0x8FFFFFFF  }
0x98: {  	s19 =	sld [smem:$0x3FDB];
	_ =	sdelay $0x1  }
0x99: {  	s4 =	simm.s32 $_scs_section_size  }
0x9a: {  	s5 =	simm.s32 $_size__tile_overlayer_lowered;
	s6 =	simm.s32 $_tile_overlayer_lowered  }
0x9b: {  	s22 =	simm.s32 $0x1BFF;
	s21 =	sshll.u32 s6, $0x1;
	s3 =	sadd.s32 s4, s19  }
0x9c: {  	s7 =	simm.s32 $0x0;
	s20 =	sshll.u32 s5, $0x1;
	s5 =	sadd.s32 s21, s3  }
0x9d: {  	[timem:s7], [sflag:s22] =	dma.local [hbm:s5], s20  }
0x9e: {  	_ =	swait.ge [sflag:s22], s20  }
0x9f: {  	s4 =	ssub.s32 $0x0, s20;
	[sflag:s22] =	ssyncset.done $0x0  }
0xa0: {  	[sflag:s22] =	ssyncadd.s32 s4;
	_ =	sdelay $0x1  }
0xa1: {  	s23 =	simm.s32 $0x1B8B  }
0xa2: {  	_ =	swait.ge [sflag:s23], $0x1  }
0xa3: {  	[sflag:s23] =	ssyncset.done $0x0  }
0xa4: {  	s25 =	simm.s32 $0x1B8E;
	s24 =	sld [smem:$0x3FFE];
	[sflag:s23] =	ssyncadd.s32 $0xFFFFFFFF  }
0xa5: {  	s26 =	simm.s32 $execute0_lowered;
	[smem:$0x3FD2] =	sst s25  }
0xa6: {  	s5 =	sshll.u32 s26, $0x1;
	_ =	strace $0x8000004C;
	[dreg:$0x1] =	wrdreg $0xFFFFFFFF  }
0xa7: {  	s28 =	simm.s32 $_size_execute0_lowered;
	s3 =	sadd.s32 s3, s5;
	[dreg:$0x0] =	wrdreg $0x0  }
0xa8: {  	s5 =	sshll.u32 s28, $0x1;
	[dreg:$0x2] =	wrdreg s3  }
0xa9: {  	[dreg:$0x3] =	wrdreg s5  }
0xaa: {  	[dreg:$0x4] =	wrdreg $0xC0  }
0xab: {  	_ =	task [dreg:s7], $0x5FFFF  }
0xac: {  	[dreg:$0x1] =	wrdreg $0xFFFFFFFF  }
0xad: {  	[dreg:$0x0] =	wrdreg $0x60  }
0xae: {  	[dreg:$0x2] =	wrdreg s24  }
0xaf: {  	[dreg:$0x3] =	wrdreg s2  }
0xb0: {  	[dreg:$0x4] =	wrdreg $0x44000  }
0xb1: {  	[dreg:$0x5] =	wrdreg $0x9  }
0xb2: {  	_ =	task.clear_ibuf [dreg:s7], $0x6FFFF;
	_ =	strace $0x9000004C  }
0xb3: {  	s29 =	simm.s32 $0x9;
	_ =	strace $0x8000004E  }
0xb4: {  	_ =	swait.ge [sflag:s29], $0x1  }
0xb5: {  	[sflag:s29] =	ssyncadd.s32 $0xFFFFFFFF  }
0xb6: {  	_ =	strace $0x9000004E  }
0xb7: {  	_ =	sfence  }
0xb8: {  	s30 =	sld [smem:$0x0];
	_ =	sdelay $0x2  }
0xb9: {  	s31 =	sshll.u32 s1, $0xD;
	s1 =	sshrl.u32 s1, $0x2  }
0xba: {  	s3 =	sand.u32 $0x4000, s31;
	s1 =	sadd.s32 s1, s30  }
0xbb: {  	s0 =	sor.u32 s3, s0;
	s1 =	sshll.u32 s1, $0x11  }
0xbc: {  	s0 =	sor.u32 s1, s0  }
0xbd: {  	s0 =	sadd.s32 $0x8F2B, s0  }
0xbe: {  	[sflag:s0] =	ssyncadd.remote.s32 $0x1  }
0xbf: {  	_ =	sfence.sel $0xFFFF  }
0xc0: {  	[dreg:$0x0] =	wrdreg $0xFFFFFFFF;
	(pc) =	sbr.abs _section_cstart, $3  }
0xc1: {  	[dreg:$0x1] =	wrdreg $0xFFFFFFFF  }
0xc2: {  	_ =	task.clear_ibuf [dreg:s7], $0x2FFFF;
	_ =	strace $0x9FFFFFFF  }
0xc3: {  	(tm) =	ssettm $0x7FFFFFFF  }
tec
execute0_lowered:
.L_overlay_start_1:
0x0: {  	(tag) =	ssettag $0x1  }
0x1: {  	s0 =	rddreg [dreg:$0x0]  }
0x2: {  	s10 =	rddreg [dreg:$0x1]  }
0x3: {  	s3 =	rddreg [dreg:$0x2];
	s1 =	srdreg.scid  }
0x4: {  	s9 =	stileid.u32;
	s4 =	simm.s32 $0x0;
	s16 =	simm.s32 $0x9  }
0x5: {  	s24 =	simm.s32 $0x180;
	s25 =	simm.s32 $0x280;
	s26 =	simm.s32 $0x380  }
0x6: {  	s28 =	simm.s32 $0x3;
	s29 =	simm.s32 $0x6;
	s30 =	simm.s32 $0x7  }
0x7: {  	s31 =	simm.s32 $0x4;
	s1 =	sand.u32 $0x1, s1;
	s2 =	smul.u32 $0x9E00, s9  }
0x8: {  	[smem:$0x7FF] =	sst s4;
	s5 =	sadd.s32 $0x74600, s0;
	s6 =	sadd.s32 $0x12200, s0  }
0x9: {  	s18 =	sshll.u32 s9, $0x6;
	_ =	strace $0x8000004D;
	[dreg:$0x8] =	wrdreg s24  }
0xa: {  	s7 =	smul.u32 $0x9E000, s1;
	s8 =	ssub.s32 $0x2, s1;
	[dreg:$0x9] =	wrdreg s25  }
0xb: {  	s1 =	sshll.u32 s1, $0x4;
	s24 =	simm.s32 $0x2;
	[dreg:$0xa] =	wrdreg s26  }
0xc: {  	s25 =	simm.s32 $0x5;
	s26 =	simm.s32 $0x8;
	s17 =	sshrl.u32 s8, $0x1  }
0xd: {  	s1 =	sor.u32 s9, s1;
	s15 =	sadd.s32 s2, s3;
	s7 =	sadd.s32 s2, s7  }
0xe: {  	s14 =	ssub.s32 s8, s17;
	s12 =	smul.u32 $0x50, s1;
	s2 =	sshrl.u32 s2, $0x3  }
0xf: {  	s1 =	smul.u32 $0xA00, s1;
	s8 =	sor.u32 $0x1C09, s18;
	s15 =	sshrl.u32 s15, $0x3  }
0x10: {  	s17 =	simm.s32 $0x100;
	s18 =	simm.s32 $0x200;
	s7 =	sshrl.u32 s7, $0x3  }
0x11: {  	s2 =	sadd.s32 s10, s2;
	s14 =	smax.u32 s14, $0x1;
	s0 =	sadd.s32 s7, s0  }
0x12: {  	[dreg:$0xb] =	wrdreg s2;
	s19 =	sor.u32 $0x4, s12;
	s9 =	sadd.s32 s6, s1  }
0x13: {  	s20 =	sor.u32 $0x5, s12;
	s22 =	sor.u32 $0x6, s12;
	[dreg:$0x4] =	wrdreg s19  }
0x14: {  	s23 =	sor.u32 $0x7, s12;
	s21 =	sadd.s32 $0x20, s9;
	[dreg:$0x5] =	wrdreg s20  }
0x15: {  	s11 =	sadd.s32 $0x40, s9;
	[dreg:$0x6] =	wrdreg s22;
	s12 =	sadd.s32 $0x60, s9  }
0x16: {  	[dreg:$0x7] =	wrdreg s23;
	s13 =	sadd.s32 $0x88000, s0;
	s19 =	simm.s32 $0x300  }
0x17: {  	s20 =	simm.s32 $0x1;
	s22 =	simm.s32 $0x400;
	s23 =	simm.s32 $0x2400  }
0x18: {  	s0 =	simm.s32 $0x0;
	[dreg:$0xc] =	wrdreg s21;
	s21 =	simm.s32 $0x80  }
.LBB2_1:
0x19: {  	s1 =	rddreg [dreg:$0xb]  }
0x1a: {  	[spmem:s15], [sflag:s8] =	dma.local [hbm:s1], $0x13C0  }
0x1b: {  	_ =	swait.ge [sflag:s16], $0x13C0  }
0x1c: {  	[sflag:s16] =	ssyncset.done $0x0  }
0x1d: {  	[sflag:s16] =	ssyncadd.s32 $0xFFFFEC40  }
0x1e: {  	[bflag:$0x0] =	sbarrier.arrive $0xFFFF  }
0x1f: {  	[tilespmem:s4], [sflag:$0x1] =	stream.linear.gather [hbm4b:s9+s4], $0x100, $0x38;
	[tilespmem:$0xE200] =	vst v63  }
0x20: {  	s2 =	rddreg [dreg:$0xc]  }
0x21: {  	[tilespmem:s17], [sflag:$0x2] =	stream.linear.gather [hbm4b:s2+s4], $0x100, $0x38;
	[tilespmem:$0xE200] =	vst v63  }
0x22: {  	_ = 	snop  }
0x23: {  	[tilespmem:s18], [sflag:$0x3] =	stream.linear.gather [hbm4b:s11+s4], $0x100, $0x38;
	[tilespmem:$0xE200] =	vst v63  }
0x24: {  	_ = 	snop  }
0x25: {  	[tilespmem:s19], [sflag:$0x4] =	stream.linear.gather [hbm4b:s12+s4], $0x100, $0x38;
	[tilespmem:$0xE200] =	vst v63  }
0x26: {  	_ =	swait.ge [sflag:s20], $0x100  }
0x27: {  	[sflag:s20] =	ssyncset.done $0x0  }
0x28: {  	[sflag:s20] =	ssyncadd.s32 $0xFFFFFF00  }
0x29: {  	[tilespmem:s22], [sflag:$0x5] =	stream.indirect.gather [hbm4b:s5+s21], $0x40, s4, s21, $0xb8;
	[tilespmem:$0xE200] =	vst v63  }
0x2a: {  	s7 =	rddreg [dreg:$0x1]  }
0x2b: {  	[tilespmem:s23], [sflag:$0x8] =	stream.linear.gather [hbm4b:s7+s4], $0x2000, $0x38;
	[tilespmem:$0xE200] =	vst v63  }
0x2c: {  	_ =	swait.ge [sflag:s24], $0x100  }
0x2d: {  	[sflag:s24] =	ssyncset.done $0x0  }
0x2e: {  	[sflag:s24] =	ssyncadd.s32 $0xFFFFFF00  }
0x2f: {  	_ =	swait.ge [sflag:s25], $0x2000  }
0x30: {  	[sflag:s25] =	ssyncset.done $0x0  }
0x31: {  	[sflag:s25] =	ssyncadd.s32 $0xFFFFE000  }
0x32: {  	[spmem:s3] =	stream.indirect.scatter.add.f32 [tilespmem:s22], [sflag:$0x7], $0x40, s21, s21, $0xb8;
	[tilespmem:$0xE200] =	vst v63  }
0x33: {  	_ =	swait.ge [sflag:s26], $0x2000  }
0x34: {  	s2 =	smin.u32 s4, $0x4B;
	s10 =	rddreg [dreg:$0x4]  }
0x35: {  	[sflag:s26] =	ssyncset.done $0x0;
	s1 =	sadd.s32 s2, s10  }
0x36: {  	[sflag:s26] =	ssyncadd.s32 $0xFFFFE000;
	s1 =	sshll.u32 s1, $0x5  }
0x37: {  	[tilespmem:s23], [sflag:$0x6] =	stream.indirect.gather [hbm4b:s5+s21], $0x40, s17, s21, $0xb8;
	[tilespmem:$0xE200] =	vst v63  }
0x38: {  	s1 =	sadd.s32 s6, s1  }
0x39: {  	[tilespmem:s4], [sflag:$0x1] =	stream.linear.gather [hbm4b:s1+s4], $0x100, $0x38;
	[tilespmem:$0xE200] =	vst v63  }
0x3a: {  	_ =	swait.ge [sflag:s28], $0x100  }
0x3b: {  	[sflag:s28] =	ssyncset.done $0x0  }
0x3c: {  	[sflag:s28] =	ssyncadd.s32 $0xFFFFFF00  }
0x3d: {  	_ =	swait.ge [sflag:s29], $0x2000  }
0x3e: {  	[sflag:s29] =	ssyncset.done $0x0  }
0x3f: {  	s2 =	rddreg [dreg:$0x8];
	[sflag:s29] =	ssyncadd.s32 $0xFFFFE000  }
0x40: {  	[spmem:s3] =	stream.indirect.scatter.add.f32 [tilespmem:s23], [sflag:$0x8], $0x40, s2, s21, $0xb8;
	[tilespmem:$0xE200] =	vst v63  }
0x41: {  	_ =	swait.ge [sflag:s30], $0x2000  }
0x42: {  	s10 =	smin.u32 s4, $0x4A;
	[sflag:s30] =	ssyncset.done $0x0;
	s7 =	rddreg [dreg:$0x5]  }
0x43: {  	[sflag:s30] =	ssyncadd.s32 $0xFFFFE000;
	s1 =	sadd.s32 s10, s7  }
0x44: {  	[tilespmem:s22], [sflag:$0x5] =	stream.indirect.gather [hbm4b:s5+s21], $0x40, s18, s21, $0xb8;
	[tilespmem:$0xE200] =	vst v63  }
0x45: {  	s1 =	sshll.u32 s1, $0x5  }
0x46: {  	s1 =	sadd.s32 s6, s1  }
0x47: {  	[tilespmem:s17], [sflag:$0x2] =	stream.linear.gather [hbm4b:s1+s4], $0x100, $0x38;
	[tilespmem:$0xE200] =	vst v63  }
0x48: {  	_ =	swait.ge [sflag:s31], $0x100  }
0x49: {  	[sflag:s31] =	ssyncset.done $0x0  }
0x4a: {  	[sflag:s31] =	ssyncadd.s32 $0xFFFFFF00  }
0x4b: {  	_ =	swait.ge [sflag:s25], $0x2000  }
0x4c: {  	[sflag:s25] =	ssyncset.done $0x0  }
0x4d: {  	s2 =	rddreg [dreg:$0x9];
	[sflag:s25] =	ssyncadd.s32 $0xFFFFE000  }
0x4e: {  	[spmem:s3] =	stream.indirect.scatter.add.f32 [tilespmem:s22], [sflag:$0x7], $0x40, s2, s21, $0xb8;
	[tilespmem:$0xE200] =	vst v63  }
0x4f: {  	_ =	swait.ge [sflag:s26], $0x2000  }
0x50: {  	s10 =	smin.u32 s4, $0x49;
	[sflag:s26] =	ssyncset.done $0x0;
	s7 =	rddreg [dreg:$0x6]  }
0x51: {  	[sflag:s26] =	ssyncadd.s32 $0xFFFFE000;
	s1 =	sadd.s32 s10, s7  }
0x52: {  	[tilespmem:s23], [sflag:$0x6] =	stream.indirect.gather [hbm4b:s5+s21], $0x40, s19, s21, $0xb8;
	[tilespmem:$0xE200] =	vst v63  }
0x53: {  	s1 =	sshll.u32 s1, $0x5  }
0x54: {  	s1 =	sadd.s32 s6, s1  }
0x55: {  	[tilespmem:s18], [sflag:$0x3] =	stream.linear.gather [hbm4b:s1+s4], $0x100, $0x38;
	[tilespmem:$0xE200] =	vst v63  }
0x56: {  	_ =	swait.ge [sflag:s20], $0x100  }
0x57: {  	[sflag:s20] =	ssyncset.done $0x0  }
0x58: {  	[sflag:s20] =	ssyncadd.s32 $0xFFFFFF00  }
0x59: {  	_ =	swait.ge [sflag:s29], $0x2000  }
0x5a: {  	[sflag:s29] =	ssyncset.done $0x0  }
0x5b: {  	s2 =	rddreg [dreg:$0xa];
	[sflag:s29] =	ssyncadd.s32 $0xFFFFE000  }
0x5c: {  	[spmem:s3] =	stream.indirect.scatter.add.f32 [tilespmem:s23], [sflag:$0x8], $0x40, s2, s21, $0xb8;
	[tilespmem:$0xE200] =	vst v63  }
0x5d: {  	_ =	swait.ge [sflag:s30], $0x2000  }
0x5e: {  	s10 =	smin.u32 s4, $0x48;
	[sflag:s30] =	ssyncset.done $0x0;
	s7 =	rddreg [dreg:$0x7]  }
0x5f: {  	s1 =	simm.s32 $0x4;
	[sflag:s30] =	ssyncadd.s32 $0xFFFFE000;
	s2 =	sadd.s32 s10, s7  }
0x60: {  	[tilespmem:s22], [sflag:$0x5] =	stream.indirect.gather [hbm4b:s5+s21], $0x40, s4, s21, $0xb8;
	[tilespmem:$0xE200] =	vst v63  }
.LBB2_2:
0x61: {  	s7 =	sshll.u32 s2, $0x5  }
0x62: {  	s7 =	sadd.s32 s6, s7  }
0x63: {  	[tilespmem:s19], [sflag:$0x4] =	stream.linear.gather [hbm4b:s7+s4], $0x100, $0x38;
	[tilespmem:$0xE200] =	vst v63  }
0x64: {  	_ =	swait.ge [sflag:s24], $0x100  }
0x65: {  	[sflag:s24] =	ssyncset.done $0x0  }
0x66: {  	[sflag:s24] =	ssyncadd.s32 $0xFFFFFF00  }
0x67: {  	_ =	swait.ge [sflag:s25], $0x2000  }
0x68: {  	[sflag:s25] =	ssyncset.done $0x0  }
0x69: {  	[sflag:s25] =	ssyncadd.s32 $0xFFFFE000  }
0x6a: {  	[spmem:s3] =	stream.indirect.scatter.add.f32 [tilespmem:s22], [sflag:$0x7], $0x40, s21, s21, $0xb8;
	[tilespmem:$0xE200] =	vst v63  }
0x6b: {  	s2 =	smov.u32 s1;
	_ =	swait.ge [sflag:s26], $0x2000  }
0x6c: {  	s10 =	smin.u32 s2, $0x4B;
	s7 =	rddreg [dreg:$0x4]  }
0x6d: {  	[sflag:s26] =	ssyncset.done $0x0;
	s7 =	sadd.s32 s10, s7  }
0x6e: {  	[sflag:s26] =	ssyncadd.s32 $0xFFFFE000;
	s7 =	sshll.u32 s7, $0x5  }
0x6f: {  	[tilespmem:s23], [sflag:$0x6] =	stream.indirect.gather [hbm4b:s5+s21], $0x40, s17, s21, $0xb8;
	[tilespmem:$0xE200] =	vst v63  }
0x70: {  	s7 =	sadd.s32 s6, s7  }
0x71: {  	[tilespmem:s4], [sflag:$0x1] =	stream.linear.gather [hbm4b:s7+s4], $0x100, $0x38;
	[tilespmem:$0xE200] =	vst v63  }
0x72: {  	_ =	swait.ge [sflag:s28], $0x100  }
0x73: {  	[sflag:s28] =	ssyncset.done $0x0  }
0x74: {  	[sflag:s28] =	ssyncadd.s32 $0xFFFFFF00  }
0x75: {  	_ =	swait.ge [sflag:s29], $0x2000  }
0x76: {  	[sflag:s29] =	ssyncset.done $0x0  }
0x77: {  	s10 =	rddreg [dreg:$0x8];
	[sflag:s29] =	ssyncadd.s32 $0xFFFFE000  }
0x78: {  	[spmem:s3] =	stream.indirect.scatter.add.f32 [tilespmem:s23], [sflag:$0x8], $0x40, s10, s21, $0xb8;
	[tilespmem:$0xE200] =	vst v63  }
0x79: {  	_ =	swait.ge [sflag:s30], $0x2000  }
0x7a: {  	s7 =	smin.u32 s2, $0x4A;
	[sflag:s30] =	ssyncset.done $0x0;
	s10 =	rddreg [dreg:$0x5]  }
0x7b: {  	[sflag:s30] =	ssyncadd.s32 $0xFFFFE000;
	s7 =	sadd.s32 s7, s10  }
0x7c: {  	[tilespmem:s22], [sflag:$0x5] =	stream.indirect.gather [hbm4b:s5+s21], $0x40, s18, s21, $0xb8;
	[tilespmem:$0xE200] =	vst v63  }
0x7d: {  	s7 =	sshll.u32 s7, $0x5  }
0x7e: {  	s7 =	sadd.s32 s6, s7  }
0x7f: {  	[tilespmem:s17], [sflag:$0x2] =	stream.linear.gather [hbm4b:s7+s4], $0x100, $0x38;
	[tilespmem:$0xE200] =	vst v63  }
0x80: {  	_ =	swait.ge [sflag:s31], $0x100  }
0x81: {  	[sflag:s31] =	ssyncset.done $0x0  }
0x82: {  	[sflag:s31] =	ssyncadd.s32 $0xFFFFFF00  }
0x83: {  	_ =	swait.ge [sflag:s25], $0x2000  }
0x84: {  	[sflag:s25] =	ssyncset.done $0x0  }
0x85: {  	s10 =	rddreg [dreg:$0x9];
	[sflag:s25] =	ssyncadd.s32 $0xFFFFE000  }
0x86: {  	[spmem:s3] =	stream.indirect.scatter.add.f32 [tilespmem:s22], [sflag:$0x7], $0x40, s10, s21, $0xb8;
	[tilespmem:$0xE200] =	vst v63  }
0x87: {  	_ =	swait.ge [sflag:s26], $0x2000  }
0x88: {  	s7 =	smin.u32 s2, $0x49;
	[sflag:s26] =	ssyncset.done $0x0;
	s10 =	rddreg [dreg:$0x6]  }
0x89: {  	[sflag:s26] =	ssyncadd.s32 $0xFFFFE000;
	s7 =	sadd.s32 s7, s10  }
0x8a: {  	[tilespmem:s23], [sflag:$0x6] =	stream.indirect.gather [hbm4b:s5+s21], $0x40, s19, s21, $0xb8;
	[tilespmem:$0xE200] =	vst v63  }
0x8b: {  	s7 =	sshll.u32 s7, $0x5  }
0x8c: {  	s7 =	sadd.s32 s6, s7  }
0x8d: {  	[tilespmem:s18], [sflag:$0x3] =	stream.linear.gather [hbm4b:s7+s4], $0x100, $0x38;
	[tilespmem:$0xE200] =	vst v63  }
0x8e: {  	_ =	swait.ge [sflag:s20], $0x100  }
0x8f: {  	[sflag:s20] =	ssyncset.done $0x0  }
0x90: {  	[sflag:s20] =	ssyncadd.s32 $0xFFFFFF00  }
0x91: {  	_ =	swait.ge [sflag:s29], $0x2000  }
0x92: {  	[sflag:s29] =	ssyncset.done $0x0  }
0x93: {  	p0 =	sne.s32 s1, $0x4C;
	s10 =	rddreg [dreg:$0xa];
	[sflag:s29] =	ssyncadd.s32 $0xFFFFE000  }
0x94: {  	[spmem:s3] =	stream.indirect.scatter.add.f32 [tilespmem:s23], [sflag:$0x8], $0x40, s10, s21, $0xb8;
	[tilespmem:$0xE200] =	vst v63  }
.Ltmp0:
0x95: {  	_ = 	snop;
	(pc) =	sbr.rel @p0 .LBB2_2-.Ltmp0, $4  }
0x96: {  	_ =	swait.ge [sflag:s30], $0x2000  }
0x97: {  	s2 =	smin.u32 s2, $0x48;
	[sflag:s30] =	ssyncset.done $0x0;
	s10 =	rddreg [dreg:$0x7]  }
0x98: {  	s1 =	sadd.s32 $0x4, s1;
	[sflag:s30] =	ssyncadd.s32 $0xFFFFE000;
	s2 =	sadd.s32 s2, s10  }
0x99: {  	[tilespmem:s22], [sflag:$0x5] =	stream.indirect.gather [hbm4b:s5+s21], $0x40, s4, s21, $0xb8;
	[tilespmem:$0xE200] =	vst v63  }
0x9a: {  	s1 =	sshll.u32 s2, $0x5  }
0x9b: {  	s1 =	sadd.s32 s6, s1  }
0x9c: {  	[tilespmem:s19], [sflag:$0x4] =	stream.linear.gather [hbm4b:s1+s4], $0x100, $0x38;
	[tilespmem:$0xE200] =	vst v63  }
0x9d: {  	_ =	swait.ge [sflag:s25], $0x2000  }
0x9e: {  	[sflag:s25] =	ssyncset.done $0x0  }
0x9f: {  	[sflag:s25] =	ssyncadd.s32 $0xFFFFE000  }
0xa0: {  	_ =	swait.ge [sflag:s26], $0x2000  }
0xa1: {  	[sflag:s26] =	ssyncset.done $0x0  }
0xa2: {  	[sflag:s26] =	ssyncadd.s32 $0xFFFFE000  }
0xa3: {  	_ =	swait.ge [sflag:s24], $0x100  }
0xa4: {  	[sflag:s24] =	ssyncset.done $0x0  }
0xa5: {  	[sflag:s24] =	ssyncadd.s32 $0xFFFFFF00  }
0xa6: {  	_ =	swait.ge [sflag:s28], $0x100  }
0xa7: {  	[sflag:s28] =	ssyncset.done $0x0  }
0xa8: {  	[sflag:s28] =	ssyncadd.s32 $0xFFFFFF00  }
0xa9: {  	_ =	swait.ge [sflag:s31], $0x100  }
0xaa: {  	s0 =	sadd.s32 $0x1, s0;
	[sflag:s31] =	ssyncset.done $0x0  }
0xab: {  	p0 =	sne.s32 s0, s14;
	[sflag:s31] =	ssyncadd.s32 $0xFFFFFF00  }
.Ltmp1:
0xac: {  	[bflag:$0x0] =	sbarrier.arrive $0xFFFF;
	(pc) =	sbr.rel @p0 .LBB2_1-.Ltmp1, $4  }
0xad: {  	[hbm:s13], [sflag:s8] =	dma.local [spmem:s15], $0x13C0  }
0xae: {  	_ =	swait.ge [sflag:s16], $0x13C0  }
0xaf: {  	[sflag:s16] =	ssyncset.done $0x0  }
0xb0: {  	[sflag:s16] =	ssyncadd.s32 $0xFFFFEC40  }
0xb1: {  	_ =	sfence.sel $0x180000  }
0xb2: {  	[bflag:$0x0] =	sbarrier.arrive $0xFFFF  }
0xb3: {  	_ =	strace $0x9000004D  }
0xb4: {  	s0 =	stileid.u32;
	[bflag:$0x2] =	sbarrier.arrive $0xFFFF  }
0xb5: {  	p0 =	sne.s32 s0, $0x0;
	s0 =	rddreg [dreg:$0x3]  }
0xb6: {  	s0 =	sadd.s32 @!p0 $0x100000, s0  }
0xb7: {  	[sflag:s0] =	ssyncadd.tile.s32 @!p0 $0x1;
	_ =	shalt  }
.Lfunc_end2:
_tile_overlayer_lowered:
.L_overlay_start_2:
0xb8: {  	(tag) =	ssettag $0x2  }
0xb9: {  	s0 =	rddreg [dreg:$0x0];
	s2 =	stileid.u32  }
0xba: {  	s1 =	rddreg [dreg:$0x1];
	p0 =	sne.s32 s2, $0x0  }
0xbb: {  	s3 =	rddreg [dreg:$0x2];
	[bflag:$0x3] =	sbarrier.arrive $0xFFFF;
	s2 =	simm.s32 @!p0 $0x1C09  }
0xbc: {  	[timem:s3], [sflag:s2] =	dma.local @!p0 [hbm:s0], s1  }
0xbd: {  	s0 =	simm.s32 @!p0 $0x9  }
0xbe: {  	_ =	swait.ge @!p0 [sflag:s0], s1  }
0xbf: {  	s1 =	ssub.s32 @!p0 $0x0, s1;
	[sflag:s0] =	ssyncset.done @!p0 $0x0  }
0xc0: {  	[sflag:s0] =	ssyncadd.s32 @!p0 s1  }
0xc1: {  	[bflag:$0x3] =	sbarrier.arrive $0xFFFF  }
0xc2: {  	_ =	shalt  }

// kernel: kernel.9.cloned.1.call-start
scs
__scs_entry_jumppad:
0x0: {  	(pc) =	sbr.rel $0x88, $3  }
0x1: {  	(tag) =	ssettag $0x0;
	lr =	simm.s32 $0x1  }
0x2: {  	[smem:$0x3F9C] =	sst lr;
	_ =	strace $0xD0000000  }
0x3: {  	_ = 	snop  }
0x4: {  	_ = 	snop  }
0x5: {  	_ = 	snop  }
0x6: {  	_ = 	snop  }
0x7: {  	_ = 	snop  }
__scs_overlays_trampoline_lowered:
0x8: {  	[smem:$0x3FAB] =	sst s0  }
0x9: {  	[smem:$0x3FAC] =	sst s1  }
0xa: {  	[smem:$0x3FAD] =	sst s2  }
0xb: {  	[smem:$0x3FAE] =	sst s3  }
0xc: {  	[smem:$0x3FAF] =	sst s4  }
0xd: {  	[smem:$0x3FB0] =	sst s5  }
0xe: {  	[smem:$0x3FB1] =	sst s6  }
0xf: {  	[smem:$0x3FB2] =	sst s7  }
0x10: {  	[smem:$0x3FB3] =	sst s8  }
0x11: {  	[smem:$0x3FB4] =	sst s9;
	s0 =	simm.s32 @!p0 $0x0  }
0x12: {  	s1 =	sld [smem:$0x3F9A];
	s0 =	simm.s32 @p0 $0x1  }
0x13: {  	[smem:$0x3FB5] =	sst s0;
	s0 =	simm.s32 @!p1 $0x0  }
0x14: {  	s2 =	sld [smem:$0x3F99];
	s0 =	simm.s32 @p1 $0x1  }
0x15: {  	[smem:$0x3FB6] =	sst s0;
	s0 =	simm.s32 @!p2 $0x0  }
0x16: {  	s3 =	sld [smem:$0x3FDB];
	s0 =	simm.s32 @p2 $0x1  }
0x17: {  	s4 =	simm.s32 $0x1BF5;
	[smem:$0x3FB8] =	sst s0  }
0x18: {  	s0 =	sld [smem:$0x3F9B];
	_ =	swait.ge [sflag:s4], $0x0  }
0x19: {  	s7 =	sld [smem:$0x3F9C]  }
0x1a: {  	s8 =	sadd.s32 $0xFFFFE003, lr  }
0x1b: {  	s9 =	sadd.s32 $0xFFFFFEF7, lr;
	s5 =	simm.s32 $0xFFFFFFFF;
	p2 =	slt.u32 s8, $0xFFFFF086  }
0x1c: {  	p1 =	slt.u32 s9, $0xF7A;
	s5 =	simm.s32 @!p2 $0x0  }
0x1d: {  	s5 =	simm.s32 @p1 $0x1;
	p0 =	seq.s32 s7, s2  }
0x1e: {  	s7 =	smul.u32 @!p0 $0xF7A, s2;
	p2 =	seq.s32 @!p0 s5, $0x0  }
0x1f: {  	s9 =	smul.u32 $0xF7A, s1;
	s8 =	simm.s32 @!p0 $0x1BF5;
	p2 =	por !p2, p0  }
0x20: {  	[sflag:s8] =	ssyncset.s32 @!p0 $0xFFFFF086;
	s6 =	sadd.s32 @!p0 s3, s7;
	s7 =	simm.s32 @!p0 $0x108  }
0x21: {  	s3 =	sadd.s32 s3, s9;
	s6 =	sadd.s32 @!p0 $0x88, s6;
	s7 =	simm.s32 @p2 $0x1082  }
0x22: {  	[simem:s7], [sflag:s8] =	dma.local @!p0 [hbm:s6], $0xF7A  }
0x23: {  	s9 =	sor.u32 $0xD0000000, s2;
	s6 =	simm.s32 $0x108;
	_ =	swait.ge @!p0 [sflag:s8], $0x0  }
0x24: {  	s3 =	sadd.s32 $0x88, s3;
	s6 =	simm.s32 @!p1 $0x1082;
	[sflag:s4] =	ssyncset.s32 $0xFFFFF086  }
0x25: {  	[simem:s6], [sflag:s4] =	dma.local [hbm:s3], $0xF7A  }
0x26: {  	[smem:$0x3F9C] =	sst s1;
	(tag) =	ssettag s2;
	_ =	strace s9  }
0x27: {  	s1 =	sld [smem:$0x3FAC]  }
0x28: {  	s2 =	sld [smem:$0x3FAD]  }
0x29: {  	s4 =	sld [smem:$0x3FAF]  }
0x2a: {  	p0 =	seq.s32 s5, $0x0;
	s5 =	sld [smem:$0x3FB0]  }
0x2b: {  	s6 =	sld [smem:$0x3FB1]  }
0x2c: {  	s7 =	sld [smem:$0x3FB2]  }
0x2d: {  	s3 =	simm.s32 $0x108;
	s8 =	sld [smem:$0x3FB3]  }
0x2e: {  	s3 =	simm.s32 @!p0 $0x1082;
	s9 =	sld [smem:$0x3FB4]  }
0x2f: {  	lr =	sadd.s32 s0, s3;
	s0 =	sld [smem:$0x3FAB]  }
0x30: {  	s3 =	sld [smem:$0x3FAE]  }
0x31: {  	[smem:$0x3FB7] =	sst s10  }
0x32: {  	s10 =	sld [smem:$0x3FB5];
	_ =	sdelay $0x3  }
0x33: {  	p0 =	seq.s32 s10, $0x1;
	s10 =	sld [smem:$0x3FB7];
	_ =	sdelay $0x3  }
0x34: {  	[smem:$0x3FB7] =	sst s10  }
0x35: {  	s10 =	sld [smem:$0x3FB6];
	_ =	sdelay $0x3  }
0x36: {  	p1 =	seq.s32 s10, $0x1;
	s10 =	sld [smem:$0x3FB7];
	_ =	sdelay $0x3  }
0x37: {  	[smem:$0x3FB7] =	sst s10  }
0x38: {  	s10 =	sld [smem:$0x3FB8]  }
0x39: {  	_ = 	snop;
	(pc) =	sbr.ind lr, $3  }
0x3a: {  	_ = 	snop  }
0x3b: {  	_ = 	snop  }
0x3c: {  	p2 =	seq.s32 s10, $0x1;
	s10 =	sld [smem:$0x3FB7]  }
0x3d: {  	_ =	shalt  }
0x3e: {  	_ =	shalt  }
0x3f: {  	_ =	shalt  }
0x40: {  	_ =	shalt  }
0x41: {  	_ =	shalt  }
0x42: {  	_ =	shalt  }
0x43: {  	_ =	shalt  }
0x44: {  	_ =	shalt  }
0x45: {  	_ =	shalt  }
0x46: {  	_ =	shalt  }
0x47: {  	_ =	shalt  }
0x48: {  	_ =	shalt  }
0x49: {  	_ =	shalt  }
0x4a: {  	_ =	shalt  }
0x4b: {  	_ =	shalt  }
0x4c: {  	_ =	shalt  }
0x4d: {  	_ =	shalt  }
0x4e: {  	_ =	shalt  }
0x4f: {  	_ =	shalt  }
0x50: {  	_ =	shalt  }
0x51: {  	_ =	shalt  }
0x52: {  	_ =	shalt  }
0x53: {  	_ =	shalt  }
0x54: {  	_ =	shalt  }
0x55: {  	_ =	shalt  }
0x56: {  	_ =	shalt  }
0x57: {  	_ =	shalt  }
0x58: {  	_ =	shalt  }
0x59: {  	_ =	shalt  }
0x5a: {  	_ =	shalt  }
0x5b: {  	_ =	shalt  }
0x5c: {  	_ =	shalt  }
0x5d: {  	_ =	shalt  }
0x5e: {  	_ =	shalt  }
0x5f: {  	_ =	shalt  }
0x60: {  	_ =	shalt  }
0x61: {  	_ =	shalt  }
0x62: {  	_ =	shalt  }
0x63: {  	_ =	shalt  }
0x64: {  	_ =	shalt  }
0x65: {  	_ =	shalt  }
0x66: {  	_ =	shalt  }
0x67: {  	_ =	shalt  }
0x68: {  	_ =	shalt  }
0x69: {  	_ =	shalt  }
0x6a: {  	_ =	shalt  }
0x6b: {  	_ =	shalt  }
0x6c: {  	_ =	shalt  }
0x6d: {  	_ =	shalt  }
0x6e: {  	_ =	shalt  }
0x6f: {  	_ =	shalt  }
0x70: {  	_ =	shalt  }
0x71: {  	_ =	shalt  }
0x72: {  	_ =	shalt  }
0x73: {  	_ =	shalt  }
0x74: {  	_ =	shalt  }
0x75: {  	_ =	shalt  }
0x76: {  	_ =	shalt  }
0x77: {  	_ =	shalt  }
0x78: {  	_ =	shalt  }
0x79: {  	_ =	shalt  }
0x7a: {  	_ =	shalt  }
0x7b: {  	_ =	shalt  }
0x7c: {  	_ =	shalt  }
0x7d: {  	_ =	shalt  }
0x7e: {  	_ =	shalt  }
0x7f: {  	_ =	shalt  }
0x80: {  	_ =	shalt  }
0x81: {  	_ =	shalt  }
0x82: {  	_ =	shalt  }
0x83: {  	_ =	shalt  }
0x84: {  	_ =	shalt  }
0x85: {  	_ =	shalt  }
0x86: {  	_ =	shalt  }
0x87: {  	_ =	shalt  }
.Lfunc_end0:
.L_simem_size_0:
called_computation_lowered:
.L_overlay_start_0:
0x88: {  	s2 =	sld [smem:$0x3FD9]  }
0x89: {  	s3 =	sld [smem:$0x3FFE];
	_ =	sdelay $0x1  }
0x8a: {  	s1 =	srdreg.scid  }
0x8b: {  	s0 =	sand.u32 $0x1, s1  }
0x8c: {  	s17 =	sshll.u32 s0, $0xA;
	s2 =	sadd.s32 s3, s2  }
0x8d: {  	s2 =	sadd.s32 s2, s17  }
0x8e: {  	[smem:$0x3FC3] =	sst s2  }
0x8f: {  	_ = 	snop  }
0x90: {  	s2 =	sld [smem:$0x3FD0];
	(tm) =	ssettm $0x1  }
0x91: {  	s18 =	sld [smem:$0x3FFB];
	_ =	sdelay $0x3  }
0x92: {  	_ =	strace s18  }
0x93: {  	s3 =	sld [smem:$0x3FFC];
	_ =	sdelay $0x3  }
0x94: {  	_ =	strace s3  }
0x95: {  	s3 =	sld [smem:$0x3FFD];
	_ =	sdelay $0x3  }
0x96: {  	_ =	strace s3  }
0x97: {  	_ =	strace $0x8FFFFFFF  }
0x98: {  	s19 =	sld [smem:$0x3FDB];
	_ =	sdelay $0x1  }
0x99: {  	s4 =	simm.s32 $_scs_section_size  }
0x9a: {  	s5 =	simm.s32 $_size__tile_overlayer_lowered;
	s6 =	simm.s32 $_tile_overlayer_lowered  }
0x9b: {  	s22 =	simm.s32 $0x1BFF;
	s21 =	sshll.u32 s6, $0x1;
	s3 =	sadd.s32 s4, s19  }
0x9c: {  	s7 =	simm.s32 $0x0;
	s20 =	sshll.u32 s5, $0x1;
	s5 =	sadd.s32 s21, s3  }
0x9d: {  	[timem:s7], [sflag:s22] =	dma.local [hbm:s5], s20  }
0x9e: {  	_ =	swait.ge [sflag:s22], s20  }
0x9f: {  	s4 =	ssub.s32 $0x0, s20;
	[sflag:s22] =	ssyncset.done $0x0  }
0xa0: {  	[sflag:s22] =	ssyncadd.s32 s4;
	_ =	sdelay $0x1  }
0xa1: {  	s23 =	simm.s32 $0x1B8B  }
0xa2: {  	_ =	swait.ge [sflag:s23], $0x1  }
0xa3: {  	[sflag:s23] =	ssyncset.done $0x0  }
0xa4: {  	s25 =	simm.s32 $0x1B8E;
	s24 =	sld [smem:$0x3FFE];
	[sflag:s23] =	ssyncadd.s32 $0xFFFFFFFF  }
0xa5: {  	s26 =	simm.s32 $execute0_lowered;
	[smem:$0x3FD2] =	sst s25  }
0xa6: {  	s5 =	sshll.u32 s26, $0x1;
	_ =	strace $0x80000046;
	[dreg:$0x1] =	wrdreg $0xFFFFFFFF  }
0xa7: {  	s28 =	simm.s32 $_size_execute0_lowered;
	s3 =	sadd.s32 s3, s5;
	[dreg:$0x0] =	wrdreg $0x0  }
0xa8: {  	s5 =	sshll.u32 s28, $0x1;
	[dreg:$0x2] =	wrdreg s3  }
0xa9: {  	[dreg:$0x3] =	wrdreg s5  }
0xaa: {  	[dreg:$0x4] =	wrdreg $0xC0  }
0xab: {  	_ =	task [dreg:s7], $0x5FFFF  }
0xac: {  	[dreg:$0x1] =	wrdreg $0xFFFFFFFF  }
0xad: {  	[dreg:$0x0] =	wrdreg $0x60  }
0xae: {  	[dreg:$0x2] =	wrdreg s24  }
0xaf: {  	[dreg:$0x3] =	wrdreg s2  }
0xb0: {  	[dreg:$0x4] =	wrdreg $0x30000  }
0xb1: {  	[dreg:$0x5] =	wrdreg $0x9  }
0xb2: {  	_ =	task.clear_ibuf [dreg:s7], $0x6FFFF;
	_ =	strace $0x90000046  }
0xb3: {  	s29 =	simm.s32 $0x9;
	_ =	strace $0x80000048  }
0xb4: {  	_ =	swait.ge [sflag:s29], $0x1  }
0xb5: {  	[sflag:s29] =	ssyncadd.s32 $0xFFFFFFFF  }
0xb6: {  	_ =	strace $0x90000048  }
0xb7: {  	_ =	sfence  }
0xb8: {  	s30 =	sld [smem:$0x0];
	_ =	sdelay $0x2  }
0xb9: {  	s31 =	sshll.u32 s1, $0xD;
	s1 =	sshrl.u32 s1, $0x2  }
0xba: {  	s3 =	sand.u32 $0x4000, s31;
	s1 =	sadd.s32 s1, s30  }
0xbb: {  	s0 =	sor.u32 s3, s0;
	s1 =	sshll.u32 s1, $0x11  }
0xbc: {  	s0 =	sor.u32 s1, s0  }
0xbd: {  	s0 =	sadd.s32 $0x8F2B, s0  }
0xbe: {  	[sflag:s0] =	ssyncadd.remote.s32 $0x1  }
0xbf: {  	_ =	sfence.sel $0xFFFF  }
0xc0: {  	[dreg:$0x0] =	wrdreg $0xFFFFFFFF;
	(pc) =	sbr.abs _section_cstart, $3  }
0xc1: {  	[dreg:$0x1] =	wrdreg $0xFFFFFFFF  }
0xc2: {  	_ =	task.clear_ibuf [dreg:s7], $0x2FFFF;
	_ =	strace $0x9FFFFFFF  }
0xc3: {  	(tm) =	ssettm $0x7FFFFFFF  }
tec
execute0_lowered:
.L_overlay_start_1:
0x0: {  	(tag) =	ssettag $0x1  }
0x1: {  	s5 =	rddreg [dreg:$0x0]  }
0x2: {  	s7 =	rddreg [dreg:$0x1]  }
0x3: {  	s2 =	rddreg [dreg:$0x2];
	s0 =	stileid.u32  }
0x4: {  	s4 =	srdreg.scid;
	s1 =	rddreg [dreg:$0x3]  }
0x5: {  	s3 =	simm.s32 $0x0;
	s13 =	simm.s32 $0x80;
	s14 =	simm.s32 $0x0  }
0x6: {  	s6 =	smul.u32 $0x2780, s0;
	s8 =	sand.u32 $0x1, s4;
	[smem:$0x7FF] =	sst s3  }
0x7: {  	s4 =	sadd.s32 $0x8200, s5;
	s31 =	sshll.u32 s0, $0x6;
	s10 =	smul.u32 $0x27800, s8  }
0x8: {  	_ =	strace $0x80000047;
	s11 =	ssub.s32 $0x2, s8;
	s8 =	sshll.u32 s8, $0x4  }
0x9: {  	s9 =	sshrl.u32 s6, $0x3;
	s12 =	sshrl.u32 s11, $0x1;
	s8 =	sor.u32 s0, s8  }
0xa: {  	s30 =	sadd.s32 s6, s2;
	s9 =	sadd.s32 s9, s5;
	s10 =	sadd.s32 s6, s10  }
0xb: {  	s11 =	ssub.s32 s11, s12;
	s8 =	smul.u32 $0x500, s8;
	s10 =	sshrl.u32 s10, $0x3  }
0xc: {  	s6 =	sor.u32 $0x1C01, s31;
	s12 =	simm.s32 $0x2800;
	s10 =	sadd.s32 s10, s5  }
0xd: {  	s5 =	sadd.s32 $0x3200, s9;
	s7 =	sadd.s32 s7, s8;
	s9 =	smax.u32 s11, $0x1  }
0xe: {  	s11 =	simm.s32 $0x1;
	s8 =	sadd.s32 $0x8400, s10;
	s10 =	sshrl.u32 s30, $0x3  }
.LBB2_1:
0xf: {  	[spmem:s10], [sflag:s6] =	dma.local [hbm:s5], $0x4F0  }
0x10: {  	_ =	swait.ge [sflag:s11], $0x4F0  }
0x11: {  	[sflag:s11] =	ssyncset.done $0x0  }
0x12: {  	[sflag:s11] =	ssyncadd.s32 $0xFFFFFB10  }
0x13: {  	[tilespmem:s3], [sflag:$0x1] =	stream.linear.gather [hbm4b:s7+s3], $0x2800, $0x38;
	[tilespmem:$0x5780] =	vst v63  }
0x14: {  	_ =	swait.ge [sflag:s11], $0x2800  }
0x15: {  	[sflag:s11] =	ssyncset.done $0x0  }
0x16: {  	[sflag:s11] =	ssyncadd.s32 $0xFFFFD800  }
0x17: {  	[tilespmem:s12], [sflag:$0x1] =	stream.linear.gather [hbm4b:s4+s3], $0x800, $0x38;
	[tilespmem:$0x5780] =	vst v63  }
0x18: {  	_ =	swait.ge [sflag:s11], $0x800  }
0x19: {  	[sflag:s11] =	ssyncset.done $0x0  }
0x1a: {  	[sflag:s11] =	ssyncadd.s32 $0xFFFFF800  }
0x1b: {  	s15 =	simm.s32 $0x0;
	[bflag:$0x0] =	sbarrier.arrive $0xFFFF  }
0x1c: {  	[spmem:s2] =	stream.indirect.scatter.add.f32 [tilespmem:s12], [sflag:$0x1], $0x10, s15, s13, $0xb8;
	[tilespmem:$0x5780] =	vst v63  }
0x1d: {  	_ =	swait.ge [sflag:s11], $0x800  }
0x1e: {  	s15 =	simm.s32 $0x200;
	[sflag:s11] =	ssyncset.done $0x0  }
.LBB2_2:
0x1f: {  	s16 =	sshra.s32 s15, $0x2;
	[sflag:s11] =	ssyncadd.s32 $0xFFFFF800;
	p0 =	sne.s32 s15, $0x9E00  }
0x20: {  	[spmem:s2] =	stream.indirect.scatter.add.f32 [tilespmem:s12], [sflag:$0x1], $0x10, s16, s13, $0xb8;
	[tilespmem:$0x5780] =	vst v63  }
.Ltmp0:
0x21: {  	_ = 	snop;
	(pc) =	sbr.rel @p0 .LBB2_2-.Ltmp0, $4  }
0x22: {  	_ = 	snop  }
0x23: {  	s15 =	sadd.s32 $0x200, s15  }
0x24: {  	_ =	swait.ge [sflag:s11], $0x800  }
0x25: {  	[sflag:s11] =	ssyncset.done $0x0  }
0x26: {  	s14 =	sadd.s32 $0x1, s14  }
0x27: {  	[sflag:s11] =	ssyncadd.s32 $0xFFFFF800;
	p0 =	sne.s32 s14, s9  }
.Ltmp1:
0x28: {  	[bflag:$0x0] =	sbarrier.arrive $0xFFFF;
	(pc) =	sbr.rel @p0 .LBB2_1-.Ltmp1, $4  }
0x29: {  	[hbm:s8], [sflag:s6] =	dma.local [spmem:s10], $0x4F0  }
0x2a: {  	_ =	swait.ge [sflag:s11], $0x4F0  }
0x2b: {  	[sflag:s11] =	ssyncset.done $0x0  }
0x2c: {  	[sflag:s11] =	ssyncadd.s32 $0xFFFFFB10  }
0x2d: {  	_ =	sfence.sel $0x180000  }
0x2e: {  	[bflag:$0x0] =	sbarrier.arrive $0xFFFF  }
0x2f: {  	p0 =	sne.s32 s0, $0x0;
	_ =	strace $0x90000047  }
0x30: {  	s0 =	sadd.s32 @!p0 $0x100000, s1;
	[bflag:$0x2] =	sbarrier.arrive $0xFFFF  }
0x31: {  	[sflag:s0] =	ssyncadd.tile.s32 @!p0 $0x1;
	_ =	shalt  }
.Lfunc_end2:
_tile_overlayer_lowered:
.L_overlay_start_2:
0x32: {  	(tag) =	ssettag $0x2  }
0x33: {  	s0 =	rddreg [dreg:$0x0];
	s2 =	stileid.u32  }
0x34: {  	s1 =	rddreg [dreg:$0x1];
	p0 =	sne.s32 s2, $0x0  }
0x35: {  	s3 =	rddreg [dreg:$0x2];
	[bflag:$0x3] =	sbarrier.arrive $0xFFFF;
	s2 =	simm.s32 @!p0 $0x1C01  }
0x36: {  	[timem:s3], [sflag:s2] =	dma.local @!p0 [hbm:s0], s1  }
0x37: {  	s0 =	simm.s32 @!p0 $0x1  }
0x38: {  	_ =	swait.ge @!p0 [sflag:s0], s1  }
0x39: {  	s1 =	ssub.s32 @!p0 $0x0, s1;
	[sflag:s0] =	ssyncset.done @!p0 $0x0  }
0x3a: {  	[sflag:s0] =	ssyncadd.s32 @!p0 s1  }
0x3b: {  	[bflag:$0x3] =	sbarrier.arrive $0xFFFF  }
0x3c: {  	_ =	shalt  }

</sc_bundles>
